<compile_context>
chip_gen: v7x
topology: tpu7x:2x2x1
jax: 0.10.2.dev20260603
libtpu: 0.0.44.dev20260713+nightly
codegen_flags: <defaults>
</compile_context>

<pallas_src>
import functools

import jax
import jax.numpy as jnp
from jax import lax
from jax.experimental import pallas as pl
from jax.experimental.pallas import tpu as pltpu
from jax.experimental.pallas import tpu_sc as plsc

MAXLEN = 200
EMBED = 32
LANES = 16
NWORKERS = 32
GATHER_ROWS = 100
GATHERS_PER_CHUNK = 16
CHUNK = GATHER_ROWS * GATHERS_PER_CHUNK

VOCAB = 1000000
LIN_BLOCK_V = 2048


def _linearize_table(tok_t):
    grid = (VOCAB + LIN_BLOCK_V - 1) // LIN_BLOCK_V
    rows_out = LIN_BLOCK_V // 4

    def body(in_ref, out_ref):
        x = in_ref[...]
        z = jnp.concatenate([x, x, x, x], axis=0)
        zt = z.T.reshape(rows_out, 4, 128)
        lane = lax.broadcasted_iota(jnp.int32, (rows_out, 128), 1)
        q = lane // EMBED
        out = zt[:, 0, :]
        for k in range(1, 4):
            out = jnp.where(q == k, zt[:, k, :], out)
        out_ref[...] = out

    return pl.pallas_call(
        body,
        grid=(grid,),
        in_specs=[pl.BlockSpec((EMBED, LIN_BLOCK_V), lambda i: (0, i))],
        out_specs=pl.BlockSpec((rows_out, 128), lambda i: (i, 0)),
        out_shape=jax.ShapeDtypeStruct((VOCAB * EMBED // 128, 128), jnp.float32),
    )(tok_t)


OUT_BLOCK_B = 128


def _transpose_out(rows128, batch):
    per_b128 = MAXLEN * EMBED // 128
    grid = batch // OUT_BLOCK_B
    rows_in = OUT_BLOCK_B * per_b128

    def body(in_ref, out_ref):
        blk = in_ref[...].reshape(OUT_BLOCK_B, per_b128, 128)
        y = jnp.transpose(blk, (1, 2, 0))
        out_ref[...] = y.reshape(MAXLEN, EMBED, OUT_BLOCK_B)

    return pl.pallas_call(
        body,
        grid=(grid,),
        in_specs=[pl.BlockSpec((rows_in, 128), lambda i: (i, 0))],
        out_specs=pl.BlockSpec((MAXLEN, EMBED, OUT_BLOCK_B), lambda i: (0, 0, i)),
        out_shape=jax.ShapeDtypeStruct((MAXLEN, EMBED, batch), jnp.float32),
    )(rows128)


@functools.cache
def _make_gather_kernel(n_rows: int):
    rows_per_w = n_rows // NWORKERS
    n_chunks = rows_per_w // CHUNK
    idx_rows_per_w = rows_per_w // GATHER_ROWS
    cycles = CHUNK // MAXLEN

    mesh = plsc.VectorSubcoreMesh(core_axis_name="c", subcore_axis_name="s")

    @functools.partial(
        pl.kernel,
        mesh=mesh,
        compiler_params=pltpu.CompilerParams(use_tc_tiling_on_sc=False),
        out_type=jax.ShapeDtypeStruct((n_rows, EMBED), jnp.float32),
        scratch_types=[
            pltpu.VMEM((GATHERS_PER_CHUNK, GATHER_ROWS), jnp.int32),
            pltpu.VMEM((CHUNK, EMBED), jnp.float32),
            pltpu.VMEM((MAXLEN, EMBED), jnp.float32),
            pltpu.SemaphoreType.DMA,
        ],
    )
    def emb_kernel(x_hbm, tok_hbm, pos_hbm, out_hbm, idx_v, rows_v, pos_v, sem):
        wid = lax.axis_index("s") * 2 + lax.axis_index("c")
        pltpu.sync_copy(pos_hbm, pos_v)

        def chunk_body(g, carry):
            r0 = wid * idx_rows_per_w + g * GATHERS_PER_CHUNK
            pltpu.sync_copy(x_hbm.at[pl.ds(r0, GATHERS_PER_CHUNK)], idx_v)
            copies = [
                pltpu.async_copy(
                    tok_hbm.at[idx_v.at[j]],
                    rows_v.at[pl.ds(j * GATHER_ROWS, GATHER_ROWS)],
                    sem,
                )
                for j in range(GATHERS_PER_CHUNK)
            ]
            for c in copies:
                c.wait()

            def t_body(t, carry2):
                p0 = pos_v[t, pl.ds(0, LANES)]
                p1 = pos_v[t, pl.ds(LANES, LANES)]
                for cyc in range(cycles):
                    r = cyc * MAXLEN + t
                    rows_v[r, pl.ds(0, LANES)] = rows_v[r, pl.ds(0, LANES)] + p0
                    rows_v[r, pl.ds(LANES, LANES)] = (
                        rows_v[r, pl.ds(LANES, LANES)] + p1
                    )
                return carry2

            lax.fori_loop(0, MAXLEN, t_body, 0)

            base = wid * rows_per_w + g * CHUNK
            pltpu.sync_copy(rows_v, out_hbm.at[pl.ds(base, CHUNK)])
            return carry

        lax.fori_loop(0, n_chunks, chunk_body, 0)

    return emb_kernel


def kernel(x, token_emb, pos_emb):
    batch, maxlen = x.shape
    n_rows = batch * maxlen
    x2 = x.reshape(n_rows // GATHER_ROWS, GATHER_ROWS).astype(jnp.int32)
    tok_lin = _linearize_table(token_emb.T).reshape(VOCAB, EMBED)
    rows = _make_gather_kernel(n_rows)(x2, tok_lin, pos_emb)
    out_tdb = _transpose_out(rows.reshape(n_rows * EMBED // 128, 128), batch)
    return jnp.transpose(out_tdb, (2, 0, 1))

# --- scband reference (transcript-rebuilt; emitter-appended) ---
"""Pipeline reference for scband-token-and-position-embedding-41231686042334 (READ-ONLY COPY).

The authoritative reference and input builder live on the scoring server;
editing this copy changes nothing except your own understanding.
"""

import jax, jax.numpy as jnp
import numpy as np

MAXLEN = 200
VOCAB_SIZE = 1000000
EMBED_DIM = 32
BATCH = 4096


def setup_inputs(seed: int = 0) -> dict:
    key = jax.random.key(seed)
    k1, k2, k3 = jax.random.split(key, 3)
    x = jax.random.randint(k1, (BATCH, MAXLEN), 0, VOCAB_SIZE, dtype=jnp.int64 if jax.config.read('jax_enable_x64') else jnp.int32)
    token_emb = jax.random.normal(k2, (VOCAB_SIZE, EMBED_DIM), dtype=jnp.float32) * 0.05
    pos_emb = jax.random.normal(k3, (MAXLEN, EMBED_DIM), dtype=jnp.float32) * 0.05
    return {"x": x, "token_emb": token_emb, "pos_emb": pos_emb}


def reference(x, token_emb, pos_emb):
    # positions = range(0, maxlen)
    maxlen = x.shape[-1]
    positions = jnp.arange(maxlen)
    pos = jnp.take(pos_emb, positions, axis=0)          # [maxlen, embed_dim]
    tok = jnp.take(token_emb, x, axis=0)                 # [batch, maxlen, embed_dim]
    return tok + pos[None, :, :]

if __name__ == "__main__":
    import jax
    _d = setup_inputs()
    print(jax.jit(kernel)(*tuple(_d.values())))

</pallas_src>

<mosaic_0001>
#map = affine_map<(d0, d1) -> (0, 0)>
module attributes {stable_mosaic.version = 14 : i64} {
  func.func @emb_kernel(%arg0: i32, %arg1: i32, %arg2: memref<8192x100xi32, #tpu.memory_space<hbm>>, %arg3: memref<1000000x32xf32, #tpu.memory_space<hbm>>, %arg4: memref<200x32xf32, #tpu.memory_space<hbm>>, %arg5: memref<819200x32xf32, #tpu.memory_space<hbm>>, %arg6: memref<16x100xi32, #tpu.memory_space<vmem>>, %arg7: memref<1600x32xf32, #tpu.memory_space<vmem>>, %arg8: memref<200x32xf32, #tpu.memory_space<vmem>>, %arg9: memref<!tpu.dma_semaphore, #tpu.memory_space<semaphore_mem>>) attributes {dimension_semantics = [#tpu.dimension_semantics<core_parallel>, #tpu.dimension_semantics<subcore_parallel>], iteration_bounds = array<i64: 2, 16>, scalar_prefetch = 0 : i64, scratch_operands = 4 : i64, tpu.core_type = #tpu.core_type<sc_vector_subcore>, window_params = [{transform_indices = #map}, {transform_indices = #map}, {transform_indices = #map}, {transform_indices = #map}]} {
    %mul3A = arith.constant 2 : i32
    %mul3A_0 = arith.muli %arg1, %mul3A : i32
    %add3A = arith.addi %mul3A_0, %arg0 : i32
    "tpu.region"() ({
      %run_scoped3A = tpu.sem_alloc : memref<!tpu.dma_semaphore, #tpu.memory_space<semaphore_mem>>
      tpu.enqueue_dma source(%arg4 : memref<200x32xf32, #tpu.memory_space<hbm>>) target(%arg8 : memref<200x32xf32, #tpu.memory_space<vmem>>) target_semaphore(%run_scoped3A : memref<!tpu.dma_semaphore, #tpu.memory_space<semaphore_mem>>)
      tpu.wait_dma2 semaphore(%run_scoped3A : memref<!tpu.dma_semaphore, #tpu.memory_space<semaphore_mem>>) src(%arg4 : memref<200x32xf32, #tpu.memory_space<hbm>>) dst(%arg8 : memref<200x32xf32, #tpu.memory_space<vmem>>)
      tpu.yield
    }) : () -> ()
    %scan3A = arith.constant 0 : i32
    %scan3A_1 = arith.constant 0 : i32
    %scan3A_2 = arith.constant 16 : i32
    %scan3A_3 = arith.addi %scan3A_1, %scan3A_2 : i32
    %scan3A_4 = arith.constant 1 : i32
    scf.for %scan3A_6 = %scan3A_1 to %scan3A_3 step %scan3A_4  : i32 {
      %mul3A_7 = arith.constant 256 : i32
      %mul3A_8 = arith.muli %add3A, %mul3A_7 : i32
      %mul3A_9 = arith.constant 16 : i32
      %mul3A_10 = arith.muli %scan3A_6, %mul3A_9 : i32
      %add3A_11 = arith.addi %mul3A_8, %mul3A_10 : i32
      "tpu.region"() ({
        %run_scoped3A = tpu.sem_alloc : memref<!tpu.dma_semaphore, #tpu.memory_space<semaphore_mem>>
        %dma_start3A_341 = arith.constant 0 : i32
        %dma_start3A_342 = tpu.memref_slice %arg2[%add3A_11, %dma_start3A_341] : memref<8192x100xi32, #tpu.memory_space<hbm>> -> memref<16x100xi32, #tpu.memory_space<hbm>>
        %dma_start3A_343 = arith.constant 0 : i32
        %dma_start3A_344 = tpu.memref_slice %arg2[%add3A_11, %dma_start3A_343] : memref<8192x100xi32, #tpu.memory_space<hbm>> -> memref<16x100xi32, #tpu.memory_space<hbm>>
        tpu.enqueue_dma source(%dma_start3A_344 : memref<16x100xi32, #tpu.memory_space<hbm>>) target(%arg6 : memref<16x100xi32, #tpu.memory_space<vmem>>) target_semaphore(%run_scoped3A : memref<!tpu.dma_semaphore, #tpu.memory_space<semaphore_mem>>)
        %dma_wait3A_345 = arith.constant 0 : i32
        %dma_wait3A_346 = tpu.memref_slice %arg2[%add3A_11, %dma_wait3A_345] : memref<8192x100xi32, #tpu.memory_space<hbm>> -> memref<16x100xi32, #tpu.memory_space<hbm>>
        %dma_wait3A_347 = arith.constant 0 : i32
        %dma_wait3A_348 = tpu.memref_slice %arg2[%add3A_11, %dma_wait3A_347] : memref<8192x100xi32, #tpu.memory_space<hbm>> -> memref<16x100xi32, #tpu.memory_space<hbm>>
        tpu.wait_dma2 semaphore(%run_scoped3A : memref<!tpu.dma_semaphore, #tpu.memory_space<semaphore_mem>>) src(%dma_wait3A_348 : memref<16x100xi32, #tpu.memory_space<hbm>>) dst(%arg6 : memref<16x100xi32, #tpu.memory_space<vmem>>)
        tpu.yield
      }) : () -> ()
      %dma_start3A = arith.constant 0 : i32
      %dma_start3A_12 = arith.constant 0 : i32
      %dma_start3A_13 = arith.constant 0 : i32
      %dma_start3A_14 = tpu.memref_slice %arg7[%dma_start3A_12, %dma_start3A_13] : memref<1600x32xf32, #tpu.memory_space<vmem>> -> memref<100x32xf32, #tpu.memory_space<vmem>>
      %dma_start3A_15 = arith.constant 0 : i32
      %dma_start3A_16 = tpu.memref_slice %arg6[%dma_start3A, %dma_start3A_15] : memref<16x100xi32, #tpu.memory_space<vmem>> -> memref<1x100xi32, #tpu.memory_space<vmem>>
      %dma_start3A_17 = tpu.memref_squeeze %dma_start3A_16 : memref<1x100xi32, #tpu.memory_space<vmem>> -> memref<100xi32, #tpu.memory_space<vmem>>
      %dma_start3A_18 = arith.constant 0 : i32
      %dma_start3A_19 = arith.constant 0 : i32
      %dma_start3A_20 = tpu.memref_slice %arg3[%dma_start3A_18, %dma_start3A_19] : memref<1000000x32xf32, #tpu.memory_space<hbm>> -> memref<1000000x32xf32, #tpu.memory_space<hbm>>
      tpu.enqueue_indirect_dma source(%dma_start3A_20 : memref<1000000x32xf32, #tpu.memory_space<hbm>>) target(%dma_start3A_14 : memref<100x32xf32, #tpu.memory_space<vmem>>) offsets(%dma_start3A_17 : memref<100xi32, #tpu.memory_space<vmem>>) semaphore(%arg9 : memref<!tpu.dma_semaphore, #tpu.memory_space<semaphore_mem>>)
      %dma_start3A_21 = arith.constant 1 : i32
      %dma_start3A_22 = arith.constant 100 : i32
      %dma_start3A_23 = arith.constant 0 : i32
      %dma_start3A_24 = tpu.memref_slice %arg7[%dma_start3A_22, %dma_start3A_23] : memref<1600x32xf32, #tpu.memory_space<vmem>> -> memref<100x32xf32, #tpu.memory_space<vmem>>
      %dma_start3A_25 = arith.constant 0 : i32
      %dma_start3A_26 = tpu.memref_slice %arg6[%dma_start3A_21, %dma_start3A_25] : memref<16x100xi32, #tpu.memory_space<vmem>> -> memref<1x100xi32, #tpu.memory_space<vmem>>
      %dma_start3A_27 = tpu.memref_squeeze %dma_start3A_26 : memref<1x100xi32, #tpu.memory_space<vmem>> -> memref<100xi32, #tpu.memory_space<vmem>>
      %dma_start3A_28 = arith.constant 0 : i32
      %dma_start3A_29 = arith.constant 0 : i32
      %dma_start3A_30 = tpu.memref_slice %arg3[%dma_start3A_28, %dma_start3A_29] : memref<1000000x32xf32, #tpu.memory_space<hbm>> -> memref<1000000x32xf32, #tpu.memory_space<hbm>>
      tpu.enqueue_indirect_dma source(%dma_start3A_30 : memref<1000000x32xf32, #tpu.memory_space<hbm>>) target(%dma_start3A_24 : memref<100x32xf32, #tpu.memory_space<vmem>>) offsets(%dma_start3A_27 : memref<100xi32, #tpu.memory_space<vmem>>) semaphore(%arg9 : memref<!tpu.dma_semaphore, #tpu.memory_space<semaphore_mem>>)
      %dma_start3A_31 = arith.constant 2 : i32
      %dma_start3A_32 = arith.constant 200 : i32
      %dma_start3A_33 = arith.constant 0 : i32
      %dma_start3A_34 = tpu.memref_slice %arg7[%dma_start3A_32, %dma_start3A_33] : memref<1600x32xf32, #tpu.memory_space<vmem>> -> memref<100x32xf32, #tpu.memory_space<vmem>>
      %dma_start3A_35 = arith.constant 0 : i32
      %dma_start3A_36 = tpu.memref_slice %arg6[%dma_start3A_31, %dma_start3A_35] : memref<16x100xi32, #tpu.memory_space<vmem>> -> memref<1x100xi32, #tpu.memory_space<vmem>>
      %dma_start3A_37 = tpu.memref_squeeze %dma_start3A_36 : memref<1x100xi32, #tpu.memory_space<vmem>> -> memref<100xi32, #tpu.memory_space<vmem>>
      %dma_start3A_38 = arith.constant 0 : i32
      %dma_start3A_39 = arith.constant 0 : i32
      %dma_start3A_40 = tpu.memref_slice %arg3[%dma_start3A_38, %dma_start3A_39] : memref<1000000x32xf32, #tpu.memory_space<hbm>> -> memref<1000000x32xf32, #tpu.memory_space<hbm>>
      tpu.enqueue_indirect_dma source(%dma_start3A_40 : memref<1000000x32xf32, #tpu.memory_space<hbm>>) target(%dma_start3A_34 : memref<100x32xf32, #tpu.memory_space<vmem>>) offsets(%dma_start3A_37 : memref<100xi32, #tpu.memory_space<vmem>>) semaphore(%arg9 : memref<!tpu.dma_semaphore, #tpu.memory_space<semaphore_mem>>)
      %dma_start3A_41 = arith.constant 3 : i32
      %dma_start3A_42 = arith.constant 300 : i32
      %dma_start3A_43 = arith.constant 0 : i32
      %dma_start3A_44 = tpu.memref_slice %arg7[%dma_start3A_42, %dma_start3A_43] : memref<1600x32xf32, #tpu.memory_space<vmem>> -> memref<100x32xf32, #tpu.memory_space<vmem>>
      %dma_start3A_45 = arith.constant 0 : i32
      %dma_start3A_46 = tpu.memref_slice %arg6[%dma_start3A_41, %dma_start3A_45] : memref<16x100xi32, #tpu.memory_space<vmem>> -> memref<1x100xi32, #tpu.memory_space<vmem>>
      %dma_start3A_47 = tpu.memref_squeeze %dma_start3A_46 : memref<1x100xi32, #tpu.memory_space<vmem>> -> memref<100xi32, #tpu.memory_space<vmem>>
      %dma_start3A_48 = arith.constant 0 : i32
      %dma_start3A_49 = arith.constant 0 : i32
      %dma_start3A_50 = tpu.memref_slice %arg3[%dma_start3A_48, %dma_start3A_49] : memref<1000000x32xf32, #tpu.memory_space<hbm>> -> memref<1000000x32xf32, #tpu.memory_space<hbm>>
      tpu.enqueue_indirect_dma source(%dma_start3A_50 : memref<1000000x32xf32, #tpu.memory_space<hbm>>) target(%dma_start3A_44 : memref<100x32xf32, #tpu.memory_space<vmem>>) offsets(%dma_start3A_47 : memref<100xi32, #tpu.memory_space<vmem>>) semaphore(%arg9 : memref<!tpu.dma_semaphore, #tpu.memory_space<semaphore_mem>>)
      %dma_start3A_51 = arith.constant 4 : i32
      %dma_start3A_52 = arith.constant 400 : i32
      %dma_start3A_53 = arith.constant 0 : i32
      %dma_start3A_54 = tpu.memref_slice %arg7[%dma_start3A_52, %dma_start3A_53] : memref<1600x32xf32, #tpu.memory_space<vmem>> -> memref<100x32xf32, #tpu.memory_space<vmem>>
      %dma_start3A_55 = arith.constant 0 : i32
      %dma_start3A_56 = tpu.memref_slice %arg6[%dma_start3A_51, %dma_start3A_55] : memref<16x100xi32, #tpu.memory_space<vmem>> -> memref<1x100xi32, #tpu.memory_space<vmem>>
      %dma_start3A_57 = tpu.memref_squeeze %dma_start3A_56 : memref<1x100xi32, #tpu.memory_space<vmem>> -> memref<100xi32, #tpu.memory_space<vmem>>
      %dma_start3A_58 = arith.constant 0 : i32
      %dma_start3A_59 = arith.constant 0 : i32
      %dma_start3A_60 = tpu.memref_slice %arg3[%dma_start3A_58, %dma_start3A_59] : memref<1000000x32xf32, #tpu.memory_space<hbm>> -> memref<1000000x32xf32, #tpu.memory_space<hbm>>
      tpu.enqueue_indirect_dma source(%dma_start3A_60 : memref<1000000x32xf32, #tpu.memory_space<hbm>>) target(%dma_start3A_54 : memref<100x32xf32, #tpu.memory_space<vmem>>) offsets(%dma_start3A_57 : memref<100xi32, #tpu.memory_space<vmem>>) semaphore(%arg9 : memref<!tpu.dma_semaphore, #tpu.memory_space<semaphore_mem>>)
      %dma_start3A_61 = arith.constant 5 : i32
      %dma_start3A_62 = arith.constant 500 : i32
      %dma_start3A_63 = arith.constant 0 : i32
      %dma_start3A_64 = tpu.memref_slice %arg7[%dma_start3A_62, %dma_start3A_63] : memref<1600x32xf32, #tpu.memory_space<vmem>> -> memref<100x32xf32, #tpu.memory_space<vmem>>
      %dma_start3A_65 = arith.constant 0 : i32
      %dma_start3A_66 = tpu.memref_slice %arg6[%dma_start3A_61, %dma_start3A_65] : memref<16x100xi32, #tpu.memory_space<vmem>> -> memref<1x100xi32, #tpu.memory_space<vmem>>
      %dma_start3A_67 = tpu.memref_squeeze %dma_start3A_66 : memref<1x100xi32, #tpu.memory_space<vmem>> -> memref<100xi32, #tpu.memory_space<vmem>>
      %dma_start3A_68 = arith.constant 0 : i32
      %dma_start3A_69 = arith.constant 0 : i32
      %dma_start3A_70 = tpu.memref_slice %arg3[%dma_start3A_68, %dma_start3A_69] : memref<1000000x32xf32, #tpu.memory_space<hbm>> -> memref<1000000x32xf32, #tpu.memory_space<hbm>>
      tpu.enqueue_indirect_dma source(%dma_start3A_70 : memref<1000000x32xf32, #tpu.memory_space<hbm>>) target(%dma_start3A_64 : memref<100x32xf32, #tpu.memory_space<vmem>>) offsets(%dma_start3A_67 : memref<100xi32, #tpu.memory_space<vmem>>) semaphore(%arg9 : memref<!tpu.dma_semaphore, #tpu.memory_space<semaphore_mem>>)
      %dma_start3A_71 = arith.constant 6 : i32
      %dma_start3A_72 = arith.constant 600 : i32
      %dma_start3A_73 = arith.constant 0 : i32
      %dma_start3A_74 = tpu.memref_slice %arg7[%dma_start3A_72, %dma_start3A_73] : memref<1600x32xf32, #tpu.memory_space<vmem>> -> memref<100x32xf32, #tpu.memory_space<vmem>>
      %dma_start3A_75 = arith.constant 0 : i32
      %dma_start3A_76 = tpu.memref_slice %arg6[%dma_start3A_71, %dma_start3A_75] : memref<16x100xi32, #tpu.memory_space<vmem>> -> memref<1x100xi32, #tpu.memory_space<vmem>>
      %dma_start3A_77 = tpu.memref_squeeze %dma_start3A_76 : memref<1x100xi32, #tpu.memory_space<vmem>> -> memref<100xi32, #tpu.memory_space<vmem>>
      %dma_start3A_78 = arith.constant 0 : i32
      %dma_start3A_79 = arith.constant 0 : i32
      %dma_start3A_80 = tpu.memref_slice %arg3[%dma_start3A_78, %dma_start3A_79] : memref<1000000x32xf32, #tpu.memory_space<hbm>> -> memref<1000000x32xf32, #tpu.memory_space<hbm>>
      tpu.enqueue_indirect_dma source(%dma_start3A_80 : memref<1000000x32xf32, #tpu.memory_space<hbm>>) target(%dma_start3A_74 : memref<100x32xf32, #tpu.memory_space<vmem>>) offsets(%dma_start3A_77 : memref<100xi32, #tpu.memory_space<vmem>>) semaphore(%arg9 : memref<!tpu.dma_semaphore, #tpu.memory_space<semaphore_mem>>)
      %dma_start3A_81 = arith.constant 7 : i32
      %dma_start3A_82 = arith.constant 700 : i32
      %dma_start3A_83 = arith.constant 0 : i32
      %dma_start3A_84 = tpu.memref_slice %arg7[%dma_start3A_82, %dma_start3A_83] : memref<1600x32xf32, #tpu.memory_space<vmem>> -> memref<100x32xf32, #tpu.memory_space<vmem>>
      %dma_start3A_85 = arith.constant 0 : i32
      %dma_start3A_86 = tpu.memref_slice %arg6[%dma_start3A_81, %dma_start3A_85] : memref<16x100xi32, #tpu.memory_space<vmem>> -> memref<1x100xi32, #tpu.memory_space<vmem>>
      %dma_start3A_87 = tpu.memref_squeeze %dma_start3A_86 : memref<1x100xi32, #tpu.memory_space<vmem>> -> memref<100xi32, #tpu.memory_space<vmem>>
      %dma_start3A_88 = arith.constant 0 : i32
      %dma_start3A_89 = arith.constant 0 : i32
      %dma_start3A_90 = tpu.memref_slice %arg3[%dma_start3A_88, %dma_start3A_89] : memref<1000000x32xf32, #tpu.memory_space<hbm>> -> memref<1000000x32xf32, #tpu.memory_space<hbm>>
      tpu.enqueue_indirect_dma source(%dma_start3A_90 : memref<1000000x32xf32, #tpu.memory_space<hbm>>) target(%dma_start3A_84 : memref<100x32xf32, #tpu.memory_space<vmem>>) offsets(%dma_start3A_87 : memref<100xi32, #tpu.memory_space<vmem>>) semaphore(%arg9 : memref<!tpu.dma_semaphore, #tpu.memory_space<semaphore_mem>>)
      %dma_start3A_91 = arith.constant 8 : i32
      %dma_start3A_92 = arith.constant 800 : i32
      %dma_start3A_93 = arith.constant 0 : i32
      %dma_start3A_94 = tpu.memref_slice %arg7[%dma_start3A_92, %dma_start3A_93] : memref<1600x32xf32, #tpu.memory_space<vmem>> -> memref<100x32xf32, #tpu.memory_space<vmem>>
      %dma_start3A_95 = arith.constant 0 : i32
      %dma_start3A_96 = tpu.memref_slice %arg6[%dma_start3A_91, %dma_start3A_95] : memref<16x100xi32, #tpu.memory_space<vmem>> -> memref<1x100xi32, #tpu.memory_space<vmem>>
      %dma_start3A_97 = tpu.memref_squeeze %dma_start3A_96 : memref<1x100xi32, #tpu.memory_space<vmem>> -> memref<100xi32, #tpu.memory_space<vmem>>
      %dma_start3A_98 = arith.constant 0 : i32
      %dma_start3A_99 = arith.constant 0 : i32
      %dma_start3A_100 = tpu.memref_slice %arg3[%dma_start3A_98, %dma_start3A_99] : memref<1000000x32xf32, #tpu.memory_space<hbm>> -> memref<1000000x32xf32, #tpu.memory_space<hbm>>
      tpu.enqueue_indirect_dma source(%dma_start3A_100 : memref<1000000x32xf32, #tpu.memory_space<hbm>>) target(%dma_start3A_94 : memref<100x32xf32, #tpu.memory_space<vmem>>) offsets(%dma_start3A_97 : memref<100xi32, #tpu.memory_space<vmem>>) semaphore(%arg9 : memref<!tpu.dma_semaphore, #tpu.memory_space<semaphore_mem>>)
      %dma_start3A_101 = arith.constant 9 : i32
      %dma_start3A_102 = arith.constant 900 : i32
      %dma_start3A_103 = arith.constant 0 : i32
      %dma_start3A_104 = tpu.memref_slice %arg7[%dma_start3A_102, %dma_start3A_103] : memref<1600x32xf32, #tpu.memory_space<vmem>> -> memref<100x32xf32, #tpu.memory_space<vmem>>
      %dma_start3A_105 = arith.constant 0 : i32
      %dma_start3A_106 = tpu.memref_slice %arg6[%dma_start3A_101, %dma_start3A_105] : memref<16x100xi32, #tpu.memory_space<vmem>> -> memref<1x100xi32, #tpu.memory_space<vmem>>
      %dma_start3A_107 = tpu.memref_squeeze %dma_start3A_106 : memref<1x100xi32, #tpu.memory_space<vmem>> -> memref<100xi32, #tpu.memory_space<vmem>>
      %dma_start3A_108 = arith.constant 0 : i32
      %dma_start3A_109 = arith.constant 0 : i32
      %dma_start3A_110 = tpu.memref_slice %arg3[%dma_start3A_108, %dma_start3A_109] : memref<1000000x32xf32, #tpu.memory_space<hbm>> -> memref<1000000x32xf32, #tpu.memory_space<hbm>>
      tpu.enqueue_indirect_dma source(%dma_start3A_110 : memref<1000000x32xf32, #tpu.memory_space<hbm>>) target(%dma_start3A_104 : memref<100x32xf32, #tpu.memory_space<vmem>>) offsets(%dma_start3A_107 : memref<100xi32, #tpu.memory_space<vmem>>) semaphore(%arg9 : memref<!tpu.dma_semaphore, #tpu.memory_space<semaphore_mem>>)
      %dma_start3A_111 = arith.constant 10 : i32
      %dma_start3A_112 = arith.constant 1000 : i32
      %dma_start3A_113 = arith.constant 0 : i32
      %dma_start3A_114 = tpu.memref_slice %arg7[%dma_start3A_112, %dma_start3A_113] : memref<1600x32xf32, #tpu.memory_space<vmem>> -> memref<100x32xf32, #tpu.memory_space<vmem>>
      %dma_start3A_115 = arith.constant 0 : i32
      %dma_start3A_116 = tpu.memref_slice %arg6[%dma_start3A_111, %dma_start3A_115] : memref<16x100xi32, #tpu.memory_space<vmem>> -> memref<1x100xi32, #tpu.memory_space<vmem>>
      %dma_start3A_117 = tpu.memref_squeeze %dma_start3A_116 : memref<1x100xi32, #tpu.memory_space<vmem>> -> memref<100xi32, #tpu.memory_space<vmem>>
      %dma_start3A_118 = arith.constant 0 : i32
      %dma_start3A_119 = arith.constant 0 : i32
      %dma_start3A_120 = tpu.memref_slice %arg3[%dma_start3A_118, %dma_start3A_119] : memref<1000000x32xf32, #tpu.memory_space<hbm>> -> memref<1000000x32xf32, #tpu.memory_space<hbm>>
      tpu.enqueue_indirect_dma source(%dma_start3A_120 : memref<1000000x32xf32, #tpu.memory_space<hbm>>) target(%dma_start3A_114 : memref<100x32xf32, #tpu.memory_space<vmem>>) offsets(%dma_start3A_117 : memref<100xi32, #tpu.memory_space<vmem>>) semaphore(%arg9 : memref<!tpu.dma_semaphore, #tpu.memory_space<semaphore_mem>>)
      %dma_start3A_121 = arith.constant 11 : i32
      %dma_start3A_122 = arith.constant 1100 : i32
      %dma_start3A_123 = arith.constant 0 : i32
      %dma_start3A_124 = tpu.memref_slice %arg7[%dma_start3A_122, %dma_start3A_123] : memref<1600x32xf32, #tpu.memory_space<vmem>> -> memref<100x32xf32, #tpu.memory_space<vmem>>
      %dma_start3A_125 = arith.constant 0 : i32
      %dma_start3A_126 = tpu.memref_slice %arg6[%dma_start3A_121, %dma_start3A_125] : memref<16x100xi32, #tpu.memory_space<vmem>> -> memref<1x100xi32, #tpu.memory_space<vmem>>
      %dma_start3A_127 = tpu.memref_squeeze %dma_start3A_126 : memref<1x100xi32, #tpu.memory_space<vmem>> -> memref<100xi32, #tpu.memory_space<vmem>>
      %dma_start3A_128 = arith.constant 0 : i32
      %dma_start3A_129 = arith.constant 0 : i32
      %dma_start3A_130 = tpu.memref_slice %arg3[%dma_start3A_128, %dma_start3A_129] : memref<1000000x32xf32, #tpu.memory_space<hbm>> -> memref<1000000x32xf32, #tpu.memory_space<hbm>>
      tpu.enqueue_indirect_dma source(%dma_start3A_130 : memref<1000000x32xf32, #tpu.memory_space<hbm>>) target(%dma_start3A_124 : memref<100x32xf32, #tpu.memory_space<vmem>>) offsets(%dma_start3A_127 : memref<100xi32, #tpu.memory_space<vmem>>) semaphore(%arg9 : memref<!tpu.dma_semaphore, #tpu.memory_space<semaphore_mem>>)
      %dma_start3A_131 = arith.constant 12 : i32
      %dma_start3A_132 = arith.constant 1200 : i32
      %dma_start3A_133 = arith.constant 0 : i32
      %dma_start3A_134 = tpu.memref_slice %arg7[%dma_start3A_132, %dma_start3A_133] : memref<1600x32xf32, #tpu.memory_space<vmem>> -> memref<100x32xf32, #tpu.memory_space<vmem>>
      %dma_start3A_135 = arith.constant 0 : i32
      %dma_start3A_136 = tpu.memref_slice %arg6[%dma_start3A_131, %dma_start3A_135] : memref<16x100xi32, #tpu.memory_space<vmem>> -> memref<1x100xi32, #tpu.memory_space<vmem>>
      %dma_start3A_137 = tpu.memref_squeeze %dma_start3A_136 : memref<1x100xi32, #tpu.memory_space<vmem>> -> memref<100xi32, #tpu.memory_space<vmem>>
      %dma_start3A_138 = arith.constant 0 : i32
      %dma_start3A_139 = arith.constant 0 : i32
      %dma_start3A_140 = tpu.memref_slice %arg3[%dma_start3A_138, %dma_start3A_139] : memref<1000000x32xf32, #tpu.memory_space<hbm>> -> memref<1000000x32xf32, #tpu.memory_space<hbm>>
      tpu.enqueue_indirect_dma source(%dma_start3A_140 : memref<1000000x32xf32, #tpu.memory_space<hbm>>) target(%dma_start3A_134 : memref<100x32xf32, #tpu.memory_space<vmem>>) offsets(%dma_start3A_137 : memref<100xi32, #tpu.memory_space<vmem>>) semaphore(%arg9 : memref<!tpu.dma_semaphore, #tpu.memory_space<semaphore_mem>>)
      %dma_start3A_141 = arith.constant 13 : i32
      %dma_start3A_142 = arith.constant 1300 : i32
      %dma_start3A_143 = arith.constant 0 : i32
      %dma_start3A_144 = tpu.memref_slice %arg7[%dma_start3A_142, %dma_start3A_143] : memref<1600x32xf32, #tpu.memory_space<vmem>> -> memref<100x32xf32, #tpu.memory_space<vmem>>
      %dma_start3A_145 = arith.constant 0 : i32
      %dma_start3A_146 = tpu.memref_slice %arg6[%dma_start3A_141, %dma_start3A_145] : memref<16x100xi32, #tpu.memory_space<vmem>> -> memref<1x100xi32, #tpu.memory_space<vmem>>
      %dma_start3A_147 = tpu.memref_squeeze %dma_start3A_146 : memref<1x100xi32, #tpu.memory_space<vmem>> -> memref<100xi32, #tpu.memory_space<vmem>>
      %dma_start3A_148 = arith.constant 0 : i32
      %dma_start3A_149 = arith.constant 0 : i32
      %dma_start3A_150 = tpu.memref_slice %arg3[%dma_start3A_148, %dma_start3A_149] : memref<1000000x32xf32, #tpu.memory_space<hbm>> -> memref<1000000x32xf32, #tpu.memory_space<hbm>>
      tpu.enqueue_indirect_dma source(%dma_start3A_150 : memref<1000000x32xf32, #tpu.memory_space<hbm>>) target(%dma_start3A_144 : memref<100x32xf32, #tpu.memory_space<vmem>>) offsets(%dma_start3A_147 : memref<100xi32, #tpu.memory_space<vmem>>) semaphore(%arg9 : memref<!tpu.dma_semaphore, #tpu.memory_space<semaphore_mem>>)
      %dma_start3A_151 = arith.constant 14 : i32
      %dma_start3A_152 = arith.constant 1400 : i32
      %dma_start3A_153 = arith.constant 0 : i32
      %dma_start3A_154 = tpu.memref_slice %arg7[%dma_start3A_152, %dma_start3A_153] : memref<1600x32xf32, #tpu.memory_space<vmem>> -> memref<100x32xf32, #tpu.memory_space<vmem>>
      %dma_start3A_155 = arith.constant 0 : i32
      %dma_start3A_156 = tpu.memref_slice %arg6[%dma_start3A_151, %dma_start3A_155] : memref<16x100xi32, #tpu.memory_space<vmem>> -> memref<1x100xi32, #tpu.memory_space<vmem>>
      %dma_start3A_157 = tpu.memref_squeeze %dma_start3A_156 : memref<1x100xi32, #tpu.memory_space<vmem>> -> memref<100xi32, #tpu.memory_space<vmem>>
      %dma_start3A_158 = arith.constant 0 : i32
      %dma_start3A_159 = arith.constant 0 : i32
      %dma_start3A_160 = tpu.memref_slice %arg3[%dma_start3A_158, %dma_start3A_159] : memref<1000000x32xf32, #tpu.memory_space<hbm>> -> memref<1000000x32xf32, #tpu.memory_space<hbm>>
      tpu.enqueue_indirect_dma source(%dma_start3A_160 : memref<1000000x32xf32, #tpu.memory_space<hbm>>) target(%dma_start3A_154 : memref<100x32xf32, #tpu.memory_space<vmem>>) offsets(%dma_start3A_157 : memref<100xi32, #tpu.memory_space<vmem>>) semaphore(%arg9 : memref<!tpu.dma_semaphore, #tpu.memory_space<semaphore_mem>>)
      %dma_start3A_161 = arith.constant 15 : i32
      %dma_start3A_162 = arith.constant 1500 : i32
      %dma_start3A_163 = arith.constant 0 : i32
      %dma_start3A_164 = tpu.memref_slice %arg7[%dma_start3A_162, %dma_start3A_163] : memref<1600x32xf32, #tpu.memory_space<vmem>> -> memref<100x32xf32, #tpu.memory_space<vmem>>
      %dma_start3A_165 = arith.constant 0 : i32
      %dma_start3A_166 = tpu.memref_slice %arg6[%dma_start3A_161, %dma_start3A_165] : memref<16x100xi32, #tpu.memory_space<vmem>> -> memref<1x100xi32, #tpu.memory_space<vmem>>
      %dma_start3A_167 = tpu.memref_squeeze %dma_start3A_166 : memref<1x100xi32, #tpu.memory_space<vmem>> -> memref<100xi32, #tpu.memory_space<vmem>>
      %dma_start3A_168 = arith.constant 0 : i32
      %dma_start3A_169 = arith.constant 0 : i32
      %dma_start3A_170 = tpu.memref_slice %arg3[%dma_start3A_168, %dma_start3A_169] : memref<1000000x32xf32, #tpu.memory_space<hbm>> -> memref<1000000x32xf32, #tpu.memory_space<hbm>>
      tpu.enqueue_indirect_dma source(%dma_start3A_170 : memref<1000000x32xf32, #tpu.memory_space<hbm>>) target(%dma_start3A_164 : memref<100x32xf32, #tpu.memory_space<vmem>>) offsets(%dma_start3A_167 : memref<100xi32, #tpu.memory_space<vmem>>) semaphore(%arg9 : memref<!tpu.dma_semaphore, #tpu.memory_space<semaphore_mem>>)
      %dma_wait3A = arith.constant 0 : i32
      %dma_wait3A_171 = arith.constant 0 : i32
      %dma_wait3A_172 = arith.constant 0 : i32
      %dma_wait3A_173 = tpu.memref_slice %arg7[%dma_wait3A_171, %dma_wait3A_172] : memref<1600x32xf32, #tpu.memory_space<vmem>> -> memref<100x32xf32, #tpu.memory_space<vmem>>
      %dma_wait3A_174 = arith.constant 0 : i32
      %dma_wait3A_175 = tpu.memref_slice %arg6[%dma_wait3A, %dma_wait3A_174] : memref<16x100xi32, #tpu.memory_space<vmem>> -> memref<1x100xi32, #tpu.memory_space<vmem>>
      %dma_wait3A_176 = tpu.memref_squeeze %dma_wait3A_175 : memref<1x100xi32, #tpu.memory_space<vmem>> -> memref<100xi32, #tpu.memory_space<vmem>>
      %dma_wait3A_177 = arith.constant 0 : i32
      %dma_wait3A_178 = arith.constant 0 : i32
      %dma_wait3A_179 = tpu.memref_slice %arg3[%dma_wait3A_177, %dma_wait3A_178] : memref<1000000x32xf32, #tpu.memory_space<hbm>> -> memref<1000000x32xf32, #tpu.memory_space<hbm>>
      tpu.wait_indirect_dma semaphore(%arg9 : memref<!tpu.dma_semaphore, #tpu.memory_space<semaphore_mem>>) src(%dma_wait3A_179 : memref<1000000x32xf32, #tpu.memory_space<hbm>>) dst(%dma_wait3A_173 : memref<100x32xf32, #tpu.memory_space<vmem>>)
      %dma_wait3A_180 = arith.constant 1 : i32
      %dma_wait3A_181 = arith.constant 100 : i32
      %dma_wait3A_182 = arith.constant 0 : i32
      %dma_wait3A_183 = tpu.memref_slice %arg7[%dma_wait3A_181, %dma_wait3A_182] : memref<1600x32xf32, #tpu.memory_space<vmem>> -> memref<100x32xf32, #tpu.memory_space<vmem>>
      %dma_wait3A_184 = arith.constant 0 : i32
      %dma_wait3A_185 = tpu.memref_slice %arg6[%dma_wait3A_180, %dma_wait3A_184] : memref<16x100xi32, #tpu.memory_space<vmem>> -> memref<1x100xi32, #tpu.memory_space<vmem>>
      %dma_wait3A_186 = tpu.memref_squeeze %dma_wait3A_185 : memref<1x100xi32, #tpu.memory_space<vmem>> -> memref<100xi32, #tpu.memory_space<vmem>>
      %dma_wait3A_187 = arith.constant 0 : i32
      %dma_wait3A_188 = arith.constant 0 : i32
      %dma_wait3A_189 = tpu.memref_slice %arg3[%dma_wait3A_187, %dma_wait3A_188] : memref<1000000x32xf32, #tpu.memory_space<hbm>> -> memref<1000000x32xf32, #tpu.memory_space<hbm>>
      tpu.wait_indirect_dma semaphore(%arg9 : memref<!tpu.dma_semaphore, #tpu.memory_space<semaphore_mem>>) src(%dma_wait3A_189 : memref<1000000x32xf32, #tpu.memory_space<hbm>>) dst(%dma_wait3A_183 : memref<100x32xf32, #tpu.memory_space<vmem>>)
      %dma_wait3A_190 = arith.constant 2 : i32
      %dma_wait3A_191 = arith.constant 200 : i32
      %dma_wait3A_192 = arith.constant 0 : i32
      %dma_wait3A_193 = tpu.memref_slice %arg7[%dma_wait3A_191, %dma_wait3A_192] : memref<1600x32xf32, #tpu.memory_space<vmem>> -> memref<100x32xf32, #tpu.memory_space<vmem>>
      %dma_wait3A_194 = arith.constant 0 : i32
      %dma_wait3A_195 = tpu.memref_slice %arg6[%dma_wait3A_190, %dma_wait3A_194] : memref<16x100xi32, #tpu.memory_space<vmem>> -> memref<1x100xi32, #tpu.memory_space<vmem>>
      %dma_wait3A_196 = tpu.memref_squeeze %dma_wait3A_195 : memref<1x100xi32, #tpu.memory_space<vmem>> -> memref<100xi32, #tpu.memory_space<vmem>>
      %dma_wait3A_197 = arith.constant 0 : i32
      %dma_wait3A_198 = arith.constant 0 : i32
      %dma_wait3A_199 = tpu.memref_slice %arg3[%dma_wait3A_197, %dma_wait3A_198] : memref<1000000x32xf32, #tpu.memory_space<hbm>> -> memref<1000000x32xf32, #tpu.memory_space<hbm>>
      tpu.wait_indirect_dma semaphore(%arg9 : memref<!tpu.dma_semaphore, #tpu.memory_space<semaphore_mem>>) src(%dma_wait3A_199 : memref<1000000x32xf32, #tpu.memory_space<hbm>>) dst(%dma_wait3A_193 : memref<100x32xf32, #tpu.memory_space<vmem>>)
      %dma_wait3A_200 = arith.constant 3 : i32
      %dma_wait3A_201 = arith.constant 300 : i32
      %dma_wait3A_202 = arith.constant 0 : i32
      %dma_wait3A_203 = tpu.memref_slice %arg7[%dma_wait3A_201, %dma_wait3A_202] : memref<1600x32xf32, #tpu.memory_space<vmem>> -> memref<100x32xf32, #tpu.memory_space<vmem>>
      %dma_wait3A_204 = arith.constant 0 : i32
      %dma_wait3A_205 = tpu.memref_slice %arg6[%dma_wait3A_200, %dma_wait3A_204] : memref<16x100xi32, #tpu.memory_space<vmem>> -> memref<1x100xi32, #tpu.memory_space<vmem>>
      %dma_wait3A_206 = tpu.memref_squeeze %dma_wait3A_205 : memref<1x100xi32, #tpu.memory_space<vmem>> -> memref<100xi32, #tpu.memory_space<vmem>>
      %dma_wait3A_207 = arith.constant 0 : i32
      %dma_wait3A_208 = arith.constant 0 : i32
      %dma_wait3A_209 = tpu.memref_slice %arg3[%dma_wait3A_207, %dma_wait3A_208] : memref<1000000x32xf32, #tpu.memory_space<hbm>> -> memref<1000000x32xf32, #tpu.memory_space<hbm>>
      tpu.wait_indirect_dma semaphore(%arg9 : memref<!tpu.dma_semaphore, #tpu.memory_space<semaphore_mem>>) src(%dma_wait3A_209 : memref<1000000x32xf32, #tpu.memory_space<hbm>>) dst(%dma_wait3A_203 : memref<100x32xf32, #tpu.memory_space<vmem>>)
      %dma_wait3A_210 = arith.constant 4 : i32
      %dma_wait3A_211 = arith.constant 400 : i32
      %dma_wait3A_212 = arith.constant 0 : i32
      %dma_wait3A_213 = tpu.memref_slice %arg7[%dma_wait3A_211, %dma_wait3A_212] : memref<1600x32xf32, #tpu.memory_space<vmem>> -> memref<100x32xf32, #tpu.memory_space<vmem>>
      %dma_wait3A_214 = arith.constant 0 : i32
      %dma_wait3A_215 = tpu.memref_slice %arg6[%dma_wait3A_210, %dma_wait3A_214] : memref<16x100xi32, #tpu.memory_space<vmem>> -> memref<1x100xi32, #tpu.memory_space<vmem>>
      %dma_wait3A_216 = tpu.memref_squeeze %dma_wait3A_215 : memref<1x100xi32, #tpu.memory_space<vmem>> -> memref<100xi32, #tpu.memory_space<vmem>>
      %dma_wait3A_217 = arith.constant 0 : i32
      %dma_wait3A_218 = arith.constant 0 : i32
      %dma_wait3A_219 = tpu.memref_slice %arg3[%dma_wait3A_217, %dma_wait3A_218] : memref<1000000x32xf32, #tpu.memory_space<hbm>> -> memref<1000000x32xf32, #tpu.memory_space<hbm>>
      tpu.wait_indirect_dma semaphore(%arg9 : memref<!tpu.dma_semaphore, #tpu.memory_space<semaphore_mem>>) src(%dma_wait3A_219 : memref<1000000x32xf32, #tpu.memory_space<hbm>>) dst(%dma_wait3A_213 : memref<100x32xf32, #tpu.memory_space<vmem>>)
      %dma_wait3A_220 = arith.constant 5 : i32
      %dma_wait3A_221 = arith.constant 500 : i32
      %dma_wait3A_222 = arith.constant 0 : i32
      %dma_wait3A_223 = tpu.memref_slice %arg7[%dma_wait3A_221, %dma_wait3A_222] : memref<1600x32xf32, #tpu.memory_space<vmem>> -> memref<100x32xf32, #tpu.memory_space<vmem>>
      %dma_wait3A_224 = arith.constant 0 : i32
      %dma_wait3A_225 = tpu.memref_slice %arg6[%dma_wait3A_220, %dma_wait3A_224] : memref<16x100xi32, #tpu.memory_space<vmem>> -> memref<1x100xi32, #tpu.memory_space<vmem>>
      %dma_wait3A_226 = tpu.memref_squeeze %dma_wait3A_225 : memref<1x100xi32, #tpu.memory_space<vmem>> -> memref<100xi32, #tpu.memory_space<vmem>>
      %dma_wait3A_227 = arith.constant 0 : i32
      %dma_wait3A_228 = arith.constant 0 : i32
      %dma_wait3A_229 = tpu.memref_slice %arg3[%dma_wait3A_227, %dma_wait3A_228] : memref<1000000x32xf32, #tpu.memory_space<hbm>> -> memref<1000000x32xf32, #tpu.memory_space<hbm>>
      tpu.wait_indirect_dma semaphore(%arg9 : memref<!tpu.dma_semaphore, #tpu.memory_space<semaphore_mem>>) src(%dma_wait3A_229 : memref<1000000x32xf32, #tpu.memory_space<hbm>>) dst(%dma_wait3A_223 : memref<100x32xf32, #tpu.memory_space<vmem>>)
      %dma_wait3A_230 = arith.constant 6 : i32
      %dma_wait3A_231 = arith.constant 600 : i32
      %dma_wait3A_232 = arith.constant 0 : i32
      %dma_wait3A_233 = tpu.memref_slice %arg7[%dma_wait3A_231, %dma_wait3A_232] : memref<1600x32xf32, #tpu.memory_space<vmem>> -> memref<100x32xf32, #tpu.memory_space<vmem>>
      %dma_wait3A_234 = arith.constant 0 : i32
      %dma_wait3A_235 = tpu.memref_slice %arg6[%dma_wait3A_230, %dma_wait3A_234] : memref<16x100xi32, #tpu.memory_space<vmem>> -> memref<1x100xi32, #tpu.memory_space<vmem>>
      %dma_wait3A_236 = tpu.memref_squeeze %dma_wait3A_235 : memref<1x100xi32, #tpu.memory_space<vmem>> -> memref<100xi32, #tpu.memory_space<vmem>>
      %dma_wait3A_237 = arith.constant 0 : i32
      %dma_wait3A_238 = arith.constant 0 : i32
      %dma_wait3A_239 = tpu.memref_slice %arg3[%dma_wait3A_237, %dma_wait3A_238] : memref<1000000x32xf32, #tpu.memory_space<hbm>> -> memref<1000000x32xf32, #tpu.memory_space<hbm>>
      tpu.wait_indirect_dma semaphore(%arg9 : memref<!tpu.dma_semaphore, #tpu.memory_space<semaphore_mem>>) src(%dma_wait3A_239 : memref<1000000x32xf32, #tpu.memory_space<hbm>>) dst(%dma_wait3A_233 : memref<100x32xf32, #tpu.memory_space<vmem>>)
      %dma_wait3A_240 = arith.constant 7 : i32
      %dma_wait3A_241 = arith.constant 700 : i32
      %dma_wait3A_242 = arith.constant 0 : i32
      %dma_wait3A_243 = tpu.memref_slice %arg7[%dma_wait3A_241, %dma_wait3A_242] : memref<1600x32xf32, #tpu.memory_space<vmem>> -> memref<100x32xf32, #tpu.memory_space<vmem>>
      %dma_wait3A_244 = arith.constant 0 : i32
      %dma_wait3A_245 = tpu.memref_slice %arg6[%dma_wait3A_240, %dma_wait3A_244] : memref<16x100xi32, #tpu.memory_space<vmem>> -> memref<1x100xi32, #tpu.memory_space<vmem>>
      %dma_wait3A_246 = tpu.memref_squeeze %dma_wait3A_245 : memref<1x100xi32, #tpu.memory_space<vmem>> -> memref<100xi32, #tpu.memory_space<vmem>>
      %dma_wait3A_247 = arith.constant 0 : i32
      %dma_wait3A_248 = arith.constant 0 : i32
      %dma_wait3A_249 = tpu.memref_slice %arg3[%dma_wait3A_247, %dma_wait3A_248] : memref<1000000x32xf32, #tpu.memory_space<hbm>> -> memref<1000000x32xf32, #tpu.memory_space<hbm>>
      tpu.wait_indirect_dma semaphore(%arg9 : memref<!tpu.dma_semaphore, #tpu.memory_space<semaphore_mem>>) src(%dma_wait3A_249 : memref<1000000x32xf32, #tpu.memory_space<hbm>>) dst(%dma_wait3A_243 : memref<100x32xf32, #tpu.memory_space<vmem>>)
      %dma_wait3A_250 = arith.constant 8 : i32
      %dma_wait3A_251 = arith.constant 800 : i32
      %dma_wait3A_252 = arith.constant 0 : i32
      %dma_wait3A_253 = tpu.memref_slice %arg7[%dma_wait3A_251, %dma_wait3A_252] : memref<1600x32xf32, #tpu.memory_space<vmem>> -> memref<100x32xf32, #tpu.memory_space<vmem>>
      %dma_wait3A_254 = arith.constant 0 : i32
      %dma_wait3A_255 = tpu.memref_slice %arg6[%dma_wait3A_250, %dma_wait3A_254] : memref<16x100xi32, #tpu.memory_space<vmem>> -> memref<1x100xi32, #tpu.memory_space<vmem>>
      %dma_wait3A_256 = tpu.memref_squeeze %dma_wait3A_255 : memref<1x100xi32, #tpu.memory_space<vmem>> -> memref<100xi32, #tpu.memory_space<vmem>>
      %dma_wait3A_257 = arith.constant 0 : i32
      %dma_wait3A_258 = arith.constant 0 : i32
      %dma_wait3A_259 = tpu.memref_slice %arg3[%dma_wait3A_257, %dma_wait3A_258] : memref<1000000x32xf32, #tpu.memory_space<hbm>> -> memref<1000000x32xf32, #tpu.memory_space<hbm>>
      tpu.wait_indirect_dma semaphore(%arg9 : memref<!tpu.dma_semaphore, #tpu.memory_space<semaphore_mem>>) src(%dma_wait3A_259 : memref<1000000x32xf32, #tpu.memory_space<hbm>>) dst(%dma_wait3A_253 : memref<100x32xf32, #tpu.memory_space<vmem>>)
      %dma_wait3A_260 = arith.constant 9 : i32
      %dma_wait3A_261 = arith.constant 900 : i32
      %dma_wait3A_262 = arith.constant 0 : i32
      %dma_wait3A_263 = tpu.memref_slice %arg7[%dma_wait3A_261, %dma_wait3A_262] : memref<1600x32xf32, #tpu.memory_space<vmem>> -> memref<100x32xf32, #tpu.memory_space<vmem>>
      %dma_wait3A_264 = arith.constant 0 : i32
      %dma_wait3A_265 = tpu.memref_slice %arg6[%dma_wait3A_260, %dma_wait3A_264] : memref<16x100xi32, #tpu.memory_space<vmem>> -> memref<1x100xi32, #tpu.memory_space<vmem>>
      %dma_wait3A_266 = tpu.memref_squeeze %dma_wait3A_265 : memref<1x100xi32, #tpu.memory_space<vmem>> -> memref<100xi32, #tpu.memory_space<vmem>>
      %dma_wait3A_267 = arith.constant 0 : i32
      %dma_wait3A_268 = arith.constant 0 : i32
      %dma_wait3A_269 = tpu.memref_slice %arg3[%dma_wait3A_267, %dma_wait3A_268] : memref<1000000x32xf32, #tpu.memory_space<hbm>> -> memref<1000000x32xf32, #tpu.memory_space<hbm>>
      tpu.wait_indirect_dma semaphore(%arg9 : memref<!tpu.dma_semaphore, #tpu.memory_space<semaphore_mem>>) src(%dma_wait3A_269 : memref<1000000x32xf32, #tpu.memory_space<hbm>>) dst(%dma_wait3A_263 : memref<100x32xf32, #tpu.memory_space<vmem>>)
      %dma_wait3A_270 = arith.constant 10 : i32
      %dma_wait3A_271 = arith.constant 1000 : i32
      %dma_wait3A_272 = arith.constant 0 : i32
      %dma_wait3A_273 = tpu.memref_slice %arg7[%dma_wait3A_271, %dma_wait3A_272] : memref<1600x32xf32, #tpu.memory_space<vmem>> -> memref<100x32xf32, #tpu.memory_space<vmem>>
      %dma_wait3A_274 = arith.constant 0 : i32
      %dma_wait3A_275 = tpu.memref_slice %arg6[%dma_wait3A_270, %dma_wait3A_274] : memref<16x100xi32, #tpu.memory_space<vmem>> -> memref<1x100xi32, #tpu.memory_space<vmem>>
      %dma_wait3A_276 = tpu.memref_squeeze %dma_wait3A_275 : memref<1x100xi32, #tpu.memory_space<vmem>> -> memref<100xi32, #tpu.memory_space<vmem>>
      %dma_wait3A_277 = arith.constant 0 : i32
      %dma_wait3A_278 = arith.constant 0 : i32
      %dma_wait3A_279 = tpu.memref_slice %arg3[%dma_wait3A_277, %dma_wait3A_278] : memref<1000000x32xf32, #tpu.memory_space<hbm>> -> memref<1000000x32xf32, #tpu.memory_space<hbm>>
      tpu.wait_indirect_dma semaphore(%arg9 : memref<!tpu.dma_semaphore, #tpu.memory_space<semaphore_mem>>) src(%dma_wait3A_279 : memref<1000000x32xf32, #tpu.memory_space<hbm>>) dst(%dma_wait3A_273 : memref<100x32xf32, #tpu.memory_space<vmem>>)
      %dma_wait3A_280 = arith.constant 11 : i32
      %dma_wait3A_281 = arith.constant 1100 : i32
      %dma_wait3A_282 = arith.constant 0 : i32
      %dma_wait3A_283 = tpu.memref_slice %arg7[%dma_wait3A_281, %dma_wait3A_282] : memref<1600x32xf32, #tpu.memory_space<vmem>> -> memref<100x32xf32, #tpu.memory_space<vmem>>
      %dma_wait3A_284 = arith.constant 0 : i32
      %dma_wait3A_285 = tpu.memref_slice %arg6[%dma_wait3A_280, %dma_wait3A_284] : memref<16x100xi32, #tpu.memory_space<vmem>> -> memref<1x100xi32, #tpu.memory_space<vmem>>
      %dma_wait3A_286 = tpu.memref_squeeze %dma_wait3A_285 : memref<1x100xi32, #tpu.memory_space<vmem>> -> memref<100xi32, #tpu.memory_space<vmem>>
      %dma_wait3A_287 = arith.constant 0 : i32
      %dma_wait3A_288 = arith.constant 0 : i32
      %dma_wait3A_289 = tpu.memref_slice %arg3[%dma_wait3A_287, %dma_wait3A_288] : memref<1000000x32xf32, #tpu.memory_space<hbm>> -> memref<1000000x32xf32, #tpu.memory_space<hbm>>
      tpu.wait_indirect_dma semaphore(%arg9 : memref<!tpu.dma_semaphore, #tpu.memory_space<semaphore_mem>>) src(%dma_wait3A_289 : memref<1000000x32xf32, #tpu.memory_space<hbm>>) dst(%dma_wait3A_283 : memref<100x32xf32, #tpu.memory_space<vmem>>)
      %dma_wait3A_290 = arith.constant 12 : i32
      %dma_wait3A_291 = arith.constant 1200 : i32
      %dma_wait3A_292 = arith.constant 0 : i32
      %dma_wait3A_293 = tpu.memref_slice %arg7[%dma_wait3A_291, %dma_wait3A_292] : memref<1600x32xf32, #tpu.memory_space<vmem>> -> memref<100x32xf32, #tpu.memory_space<vmem>>
      %dma_wait3A_294 = arith.constant 0 : i32
      %dma_wait3A_295 = tpu.memref_slice %arg6[%dma_wait3A_290, %dma_wait3A_294] : memref<16x100xi32, #tpu.memory_space<vmem>> -> memref<1x100xi32, #tpu.memory_space<vmem>>
      %dma_wait3A_296 = tpu.memref_squeeze %dma_wait3A_295 : memref<1x100xi32, #tpu.memory_space<vmem>> -> memref<100xi32, #tpu.memory_space<vmem>>
      %dma_wait3A_297 = arith.constant 0 : i32
      %dma_wait3A_298 = arith.constant 0 : i32
      %dma_wait3A_299 = tpu.memref_slice %arg3[%dma_wait3A_297, %dma_wait3A_298] : memref<1000000x32xf32, #tpu.memory_space<hbm>> -> memref<1000000x32xf32, #tpu.memory_space<hbm>>
      tpu.wait_indirect_dma semaphore(%arg9 : memref<!tpu.dma_semaphore, #tpu.memory_space<semaphore_mem>>) src(%dma_wait3A_299 : memref<1000000x32xf32, #tpu.memory_space<hbm>>) dst(%dma_wait3A_293 : memref<100x32xf32, #tpu.memory_space<vmem>>)
      %dma_wait3A_300 = arith.constant 13 : i32
      %dma_wait3A_301 = arith.constant 1300 : i32
      %dma_wait3A_302 = arith.constant 0 : i32
      %dma_wait3A_303 = tpu.memref_slice %arg7[%dma_wait3A_301, %dma_wait3A_302] : memref<1600x32xf32, #tpu.memory_space<vmem>> -> memref<100x32xf32, #tpu.memory_space<vmem>>
      %dma_wait3A_304 = arith.constant 0 : i32
      %dma_wait3A_305 = tpu.memref_slice %arg6[%dma_wait3A_300, %dma_wait3A_304] : memref<16x100xi32, #tpu.memory_space<vmem>> -> memref<1x100xi32, #tpu.memory_space<vmem>>
      %dma_wait3A_306 = tpu.memref_squeeze %dma_wait3A_305 : memref<1x100xi32, #tpu.memory_space<vmem>> -> memref<100xi32, #tpu.memory_space<vmem>>
      %dma_wait3A_307 = arith.constant 0 : i32
      %dma_wait3A_308 = arith.constant 0 : i32
      %dma_wait3A_309 = tpu.memref_slice %arg3[%dma_wait3A_307, %dma_wait3A_308] : memref<1000000x32xf32, #tpu.memory_space<hbm>> -> memref<1000000x32xf32, #tpu.memory_space<hbm>>
      tpu.wait_indirect_dma semaphore(%arg9 : memref<!tpu.dma_semaphore, #tpu.memory_space<semaphore_mem>>) src(%dma_wait3A_309 : memref<1000000x32xf32, #tpu.memory_space<hbm>>) dst(%dma_wait3A_303 : memref<100x32xf32, #tpu.memory_space<vmem>>)
      %dma_wait3A_310 = arith.constant 14 : i32
      %dma_wait3A_311 = arith.constant 1400 : i32
      %dma_wait3A_312 = arith.constant 0 : i32
      %dma_wait3A_313 = tpu.memref_slice %arg7[%dma_wait3A_311, %dma_wait3A_312] : memref<1600x32xf32, #tpu.memory_space<vmem>> -> memref<100x32xf32, #tpu.memory_space<vmem>>
      %dma_wait3A_314 = arith.constant 0 : i32
      %dma_wait3A_315 = tpu.memref_slice %arg6[%dma_wait3A_310, %dma_wait3A_314] : memref<16x100xi32, #tpu.memory_space<vmem>> -> memref<1x100xi32, #tpu.memory_space<vmem>>
      %dma_wait3A_316 = tpu.memref_squeeze %dma_wait3A_315 : memref<1x100xi32, #tpu.memory_space<vmem>> -> memref<100xi32, #tpu.memory_space<vmem>>
      %dma_wait3A_317 = arith.constant 0 : i32
      %dma_wait3A_318 = arith.constant 0 : i32
      %dma_wait3A_319 = tpu.memref_slice %arg3[%dma_wait3A_317, %dma_wait3A_318] : memref<1000000x32xf32, #tpu.memory_space<hbm>> -> memref<1000000x32xf32, #tpu.memory_space<hbm>>
      tpu.wait_indirect_dma semaphore(%arg9 : memref<!tpu.dma_semaphore, #tpu.memory_space<semaphore_mem>>) src(%dma_wait3A_319 : memref<1000000x32xf32, #tpu.memory_space<hbm>>) dst(%dma_wait3A_313 : memref<100x32xf32, #tpu.memory_space<vmem>>)
      %dma_wait3A_320 = arith.constant 15 : i32
      %dma_wait3A_321 = arith.constant 1500 : i32
      %dma_wait3A_322 = arith.constant 0 : i32
      %dma_wait3A_323 = tpu.memref_slice %arg7[%dma_wait3A_321, %dma_wait3A_322] : memref<1600x32xf32, #tpu.memory_space<vmem>> -> memref<100x32xf32, #tpu.memory_space<vmem>>
      %dma_wait3A_324 = arith.constant 0 : i32
      %dma_wait3A_325 = tpu.memref_slice %arg6[%dma_wait3A_320, %dma_wait3A_324] : memref<16x100xi32, #tpu.memory_space<vmem>> -> memref<1x100xi32, #tpu.memory_space<vmem>>
      %dma_wait3A_326 = tpu.memref_squeeze %dma_wait3A_325 : memref<1x100xi32, #tpu.memory_space<vmem>> -> memref<100xi32, #tpu.memory_space<vmem>>
      %dma_wait3A_327 = arith.constant 0 : i32
      %dma_wait3A_328 = arith.constant 0 : i32
      %dma_wait3A_329 = tpu.memref_slice %arg3[%dma_wait3A_327, %dma_wait3A_328] : memref<1000000x32xf32, #tpu.memory_space<hbm>> -> memref<1000000x32xf32, #tpu.memory_space<hbm>>
      tpu.wait_indirect_dma semaphore(%arg9 : memref<!tpu.dma_semaphore, #tpu.memory_space<semaphore_mem>>) src(%dma_wait3A_329 : memref<1000000x32xf32, #tpu.memory_space<hbm>>) dst(%dma_wait3A_323 : memref<100x32xf32, #tpu.memory_space<vmem>>)
      %scan3A_330 = arith.constant 0 : i32
      %scan3A_331 = arith.constant 0 : i32
      %scan3A_332 = arith.constant 200 : i32
      %scan3A_333 = arith.addi %scan3A_331, %scan3A_332 : i32
      %scan3A_334 = arith.constant 1 : i32
      scf.for %scan3A_341 = %scan3A_331 to %scan3A_333 step %scan3A_334  : i32 {
        %get3A = arith.index_cast %scan3A_341 : i32 to index
        %get3A_342 = arith.constant 0 : index
        %get3A_343 = tpu.vector_load %arg8[%get3A, %get3A_342] {strides = array<i32>} : memref<200x32xf32, #tpu.memory_space<vmem>>, vector<1x16xf32>,
        %get3A_344 = vector.shape_cast %get3A_343 : vector<1x16xf32> to vector<16xf32>
        %get3A_345 = arith.index_cast %scan3A_341 : i32 to index
        %get3A_346 = arith.constant 16 : index
        %get3A_347 = tpu.vector_load %arg8[%get3A_345, %get3A_346] {strides = array<i32>} : memref<200x32xf32, #tpu.memory_space<vmem>>, vector<1x16xf32>,
        %get3A_348 = vector.shape_cast %get3A_347 : vector<1x16xf32> to vector<16xf32>
        %add3A_349 = arith.constant 0 : i32
        %add3A_350 = arith.addi %add3A_349, %scan3A_341 : i32
        %get3A_351 = arith.index_cast %add3A_350 : i32 to index
        %get3A_352 = arith.constant 0 : index
        %get3A_353 = tpu.vector_load %arg7[%get3A_351, %get3A_352] {strides = array<i32>} : memref<1600x32xf32, #tpu.memory_space<vmem>>, vector<1x16xf32>,
        %get3A_354 = vector.shape_cast %get3A_353 : vector<1x16xf32> to vector<16xf32>
        %add3A_355 = arith.addf %get3A_354, %get3A_344 : vector<16xf32>
        %swap3A = arith.index_cast %add3A_350 : i32 to index
        %swap3A_356 = arith.constant 0 : index
        %swap3A_357 = tpu.vector_load %arg7[%swap3A, %swap3A_356] {strides = array<i32>} : memref<1600x32xf32, #tpu.memory_space<vmem>>, vector<1x16xf32>,
        %swap3A_358 = vector.shape_cast %swap3A_357 : vector<1x16xf32> to vector<16xf32>
        %swap3A_359 = vector.shape_cast %add3A_355 : vector<16xf32> to vector<1x16xf32>
        tpu.vector_store %arg7[%swap3A, %swap3A_356], %swap3A_359 {strides = array<i32>} : memref<1600x32xf32, #tpu.memory_space<vmem>>, vector<1x16xf32>,
        %get3A_360 = arith.index_cast %add3A_350 : i32 to index
        %get3A_361 = arith.constant 16 : index
        %get3A_362 = tpu.vector_load %arg7[%get3A_360, %get3A_361] {strides = array<i32>} : memref<1600x32xf32, #tpu.memory_space<vmem>>, vector<1x16xf32>,
        %get3A_363 = vector.shape_cast %get3A_362 : vector<1x16xf32> to vector<16xf32>
        %add3A_364 = arith.addf %get3A_363, %get3A_348 : vector<16xf32>
        %swap3A_365 = arith.index_cast %add3A_350 : i32 to index
        %swap3A_366 = arith.constant 16 : index
        %swap3A_367 = tpu.vector_load %arg7[%swap3A_365, %swap3A_366] {strides = array<i32>} : memref<1600x32xf32, #tpu.memory_space<vmem>>, vector<1x16xf32>,
        %swap3A_368 = vector.shape_cast %swap3A_367 : vector<1x16xf32> to vector<16xf32>
        %swap3A_369 = vector.shape_cast %add3A_364 : vector<16xf32> to vector<1x16xf32>
        tpu.vector_store %arg7[%swap3A_365, %swap3A_366], %swap3A_369 {strides = array<i32>} : memref<1600x32xf32, #tpu.memory_space<vmem>>, vector<1x16xf32>,
        %add3A_370 = arith.constant 200 : i32
        %add3A_371 = arith.addi %add3A_370, %scan3A_341 : i32
        %get3A_372 = arith.index_cast %add3A_371 : i32 to index
        %get3A_373 = arith.constant 0 : index
        %get3A_374 = tpu.vector_load %arg7[%get3A_372, %get3A_373] {strides = array<i32>} : memref<1600x32xf32, #tpu.memory_space<vmem>>, vector<1x16xf32>,
        %get3A_375 = vector.shape_cast %get3A_374 : vector<1x16xf32> to vector<16xf32>
        %add3A_376 = arith.addf %get3A_375, %get3A_344 : vector<16xf32>
        %swap3A_377 = arith.index_cast %add3A_371 : i32 to index
        %swap3A_378 = arith.constant 0 : index
        %swap3A_379 = tpu.vector_load %arg7[%swap3A_377, %swap3A_378] {strides = array<i32>} : memref<1600x32xf32, #tpu.memory_space<vmem>>, vector<1x16xf32>,
        %swap3A_380 = vector.shape_cast %swap3A_379 : vector<1x16xf32> to vector<16xf32>
        %swap3A_381 = vector.shape_cast %add3A_376 : vector<16xf32> to vector<1x16xf32>
        tpu.vector_store %arg7[%swap3A_377, %swap3A_378], %swap3A_381 {strides = array<i32>} : memref<1600x32xf32, #tpu.memory_space<vmem>>, vector<1x16xf32>,
        %get3A_382 = arith.index_cast %add3A_371 : i32 to index
        %get3A_383 = arith.constant 16 : index
        %get3A_384 = tpu.vector_load %arg7[%get3A_382, %get3A_383] {strides = array<i32>} : memref<1600x32xf32, #tpu.memory_space<vmem>>, vector<1x16xf32>,
        %get3A_385 = vector.shape_cast %get3A_384 : vector<1x16xf32> to vector<16xf32>
        %add3A_386 = arith.addf %get3A_385, %get3A_348 : vector<16xf32>
        %swap3A_387 = arith.index_cast %add3A_371 : i32 to index
        %swap3A_388 = arith.constant 16 : index
        %swap3A_389 = tpu.vector_load %arg7[%swap3A_387, %swap3A_388] {strides = array<i32>} : memref<1600x32xf32, #tpu.memory_space<vmem>>, vector<1x16xf32>,
        %swap3A_390 = vector.shape_cast %swap3A_389 : vector<1x16xf32> to vector<16xf32>
        %swap3A_391 = vector.shape_cast %add3A_386 : vector<16xf32> to vector<1x16xf32>
        tpu.vector_store %arg7[%swap3A_387, %swap3A_388], %swap3A_391 {strides = array<i32>} : memref<1600x32xf32, #tpu.memory_space<vmem>>, vector<1x16xf32>,
        %add3A_392 = arith.constant 400 : i32
        %add3A_393 = arith.addi %add3A_392, %scan3A_341 : i32
        %get3A_394 = arith.index_cast %add3A_393 : i32 to index
        %get3A_395 = arith.constant 0 : index
        %get3A_396 = tpu.vector_load %arg7[%get3A_394, %get3A_395] {strides = array<i32>} : memref<1600x32xf32, #tpu.memory_space<vmem>>, vector<1x16xf32>,
        %get3A_397 = vector.shape_cast %get3A_396 : vector<1x16xf32> to vector<16xf32>
        %add3A_398 = arith.addf %get3A_397, %get3A_344 : vector<16xf32>
        %swap3A_399 = arith.index_cast %add3A_393 : i32 to index
        %swap3A_400 = arith.constant 0 : index
        %swap3A_401 = tpu.vector_load %arg7[%swap3A_399, %swap3A_400] {strides = array<i32>} : memref<1600x32xf32, #tpu.memory_space<vmem>>, vector<1x16xf32>,
        %swap3A_402 = vector.shape_cast %swap3A_401 : vector<1x16xf32> to vector<16xf32>
        %swap3A_403 = vector.shape_cast %add3A_398 : vector<16xf32> to vector<1x16xf32>
        tpu.vector_store %arg7[%swap3A_399, %swap3A_400], %swap3A_403 {strides = array<i32>} : memref<1600x32xf32, #tpu.memory_space<vmem>>, vector<1x16xf32>,
        %get3A_404 = arith.index_cast %add3A_393 : i32 to index
        %get3A_405 = arith.constant 16 : index
        %get3A_406 = tpu.vector_load %arg7[%get3A_404, %get3A_405] {strides = array<i32>} : memref<1600x32xf32, #tpu.memory_space<vmem>>, vector<1x16xf32>,
        %get3A_407 = vector.shape_cast %get3A_406 : vector<1x16xf32> to vector<16xf32>
        %add3A_408 = arith.addf %get3A_407, %get3A_348 : vector<16xf32>
        %swap3A_409 = arith.index_cast %add3A_393 : i32 to index
        %swap3A_410 = arith.constant 16 : index
        %swap3A_411 = tpu.vector_load %arg7[%swap3A_409, %swap3A_410] {strides = array<i32>} : memref<1600x32xf32, #tpu.memory_space<vmem>>, vector<1x16xf32>,
        %swap3A_412 = vector.shape_cast %swap3A_411 : vector<1x16xf32> to vector<16xf32>
        %swap3A_413 = vector.shape_cast %add3A_408 : vector<16xf32> to vector<1x16xf32>
        tpu.vector_store %arg7[%swap3A_409, %swap3A_410], %swap3A_413 {strides = array<i32>} : memref<1600x32xf32, #tpu.memory_space<vmem>>, vector<1x16xf32>,
        %add3A_414 = arith.constant 600 : i32
        %add3A_415 = arith.addi %add3A_414, %scan3A_341 : i32
        %get3A_416 = arith.index_cast %add3A_415 : i32 to index
        %get3A_417 = arith.constant 0 : index
        %get3A_418 = tpu.vector_load %arg7[%get3A_416, %get3A_417] {strides = array<i32>} : memref<1600x32xf32, #tpu.memory_space<vmem>>, vector<1x16xf32>,
        %get3A_419 = vector.shape_cast %get3A_418 : vector<1x16xf32> to vector<16xf32>
        %add3A_420 = arith.addf %get3A_419, %get3A_344 : vector<16xf32>
        %swap3A_421 = arith.index_cast %add3A_415 : i32 to index
        %swap3A_422 = arith.constant 0 : index
        %swap3A_423 = tpu.vector_load %arg7[%swap3A_421, %swap3A_422] {strides = array<i32>} : memref<1600x32xf32, #tpu.memory_space<vmem>>, vector<1x16xf32>,
        %swap3A_424 = vector.shape_cast %swap3A_423 : vector<1x16xf32> to vector<16xf32>
        %swap3A_425 = vector.shape_cast %add3A_420 : vector<16xf32> to vector<1x16xf32>
        tpu.vector_store %arg7[%swap3A_421, %swap3A_422], %swap3A_425 {strides = array<i32>} : memref<1600x32xf32, #tpu.memory_space<vmem>>, vector<1x16xf32>,
        %get3A_426 = arith.index_cast %add3A_415 : i32 to index
        %get3A_427 = arith.constant 16 : index
        %get3A_428 = tpu.vector_load %arg7[%get3A_426, %get3A_427] {strides = array<i32>} : memref<1600x32xf32, #tpu.memory_space<vmem>>, vector<1x16xf32>,
        %get3A_429 = vector.shape_cast %get3A_428 : vector<1x16xf32> to vector<16xf32>
        %add3A_430 = arith.addf %get3A_429, %get3A_348 : vector<16xf32>
        %swap3A_431 = arith.index_cast %add3A_415 : i32 to index
        %swap3A_432 = arith.constant 16 : index
        %swap3A_433 = tpu.vector_load %arg7[%swap3A_431, %swap3A_432] {strides = array<i32>} : memref<1600x32xf32, #tpu.memory_space<vmem>>, vector<1x16xf32>,
        %swap3A_434 = vector.shape_cast %swap3A_433 : vector<1x16xf32> to vector<16xf32>
        %swap3A_435 = vector.shape_cast %add3A_430 : vector<16xf32> to vector<1x16xf32>
        tpu.vector_store %arg7[%swap3A_431, %swap3A_432], %swap3A_435 {strides = array<i32>} : memref<1600x32xf32, #tpu.memory_space<vmem>>, vector<1x16xf32>,
        %add3A_436 = arith.constant 800 : i32
        %add3A_437 = arith.addi %add3A_436, %scan3A_341 : i32
        %get3A_438 = arith.index_cast %add3A_437 : i32 to index
        %get3A_439 = arith.constant 0 : index
        %get3A_440 = tpu.vector_load %arg7[%get3A_438, %get3A_439] {strides = array<i32>} : memref<1600x32xf32, #tpu.memory_space<vmem>>, vector<1x16xf32>,
        %get3A_441 = vector.shape_cast %get3A_440 : vector<1x16xf32> to vector<16xf32>
        %add3A_442 = arith.addf %get3A_441, %get3A_344 : vector<16xf32>
        %swap3A_443 = arith.index_cast %add3A_437 : i32 to index
        %swap3A_444 = arith.constant 0 : index
        %swap3A_445 = tpu.vector_load %arg7[%swap3A_443, %swap3A_444] {strides = array<i32>} : memref<1600x32xf32, #tpu.memory_space<vmem>>, vector<1x16xf32>,
        %swap3A_446 = vector.shape_cast %swap3A_445 : vector<1x16xf32> to vector<16xf32>
        %swap3A_447 = vector.shape_cast %add3A_442 : vector<16xf32> to vector<1x16xf32>
        tpu.vector_store %arg7[%swap3A_443, %swap3A_444], %swap3A_447 {strides = array<i32>} : memref<1600x32xf32, #tpu.memory_space<vmem>>, vector<1x16xf32>,
        %get3A_448 = arith.index_cast %add3A_437 : i32 to index
        %get3A_449 = arith.constant 16 : index
        %get3A_450 = tpu.vector_load %arg7[%get3A_448, %get3A_449] {strides = array<i32>} : memref<1600x32xf32, #tpu.memory_space<vmem>>, vector<1x16xf32>,
        %get3A_451 = vector.shape_cast %get3A_450 : vector<1x16xf32> to vector<16xf32>
        %add3A_452 = arith.addf %get3A_451, %get3A_348 : vector<16xf32>
        %swap3A_453 = arith.index_cast %add3A_437 : i32 to index
        %swap3A_454 = arith.constant 16 : index
        %swap3A_455 = tpu.vector_load %arg7[%swap3A_453, %swap3A_454] {strides = array<i32>} : memref<1600x32xf32, #tpu.memory_space<vmem>>, vector<1x16xf32>,
        %swap3A_456 = vector.shape_cast %swap3A_455 : vector<1x16xf32> to vector<16xf32>
        %swap3A_457 = vector.shape_cast %add3A_452 : vector<16xf32> to vector<1x16xf32>
        tpu.vector_store %arg7[%swap3A_453, %swap3A_454], %swap3A_457 {strides = array<i32>} : memref<1600x32xf32, #tpu.memory_space<vmem>>, vector<1x16xf32>,
        %add3A_458 = arith.constant 1000 : i32
        %add3A_459 = arith.addi %add3A_458, %scan3A_341 : i32
        %get3A_460 = arith.index_cast %add3A_459 : i32 to index
        %get3A_461 = arith.constant 0 : index
        %get3A_462 = tpu.vector_load %arg7[%get3A_460, %get3A_461] {strides = array<i32>} : memref<1600x32xf32, #tpu.memory_space<vmem>>, vector<1x16xf32>,
        %get3A_463 = vector.shape_cast %get3A_462 : vector<1x16xf32> to vector<16xf32>
        %add3A_464 = arith.addf %get3A_463, %get3A_344 : vector<16xf32>
        %swap3A_465 = arith.index_cast %add3A_459 : i32 to index
        %swap3A_466 = arith.constant 0 : index
        %swap3A_467 = tpu.vector_load %arg7[%swap3A_465, %swap3A_466] {strides = array<i32>} : memref<1600x32xf32, #tpu.memory_space<vmem>>, vector<1x16xf32>,
        %swap3A_468 = vector.shape_cast %swap3A_467 : vector<1x16xf32> to vector<16xf32>
        %swap3A_469 = vector.shape_cast %add3A_464 : vector<16xf32> to vector<1x16xf32>
        tpu.vector_store %arg7[%swap3A_465, %swap3A_466], %swap3A_469 {strides = array<i32>} : memref<1600x32xf32, #tpu.memory_space<vmem>>, vector<1x16xf32>,
        %get3A_470 = arith.index_cast %add3A_459 : i32 to index
        %get3A_471 = arith.constant 16 : index
        %get3A_472 = tpu.vector_load %arg7[%get3A_470, %get3A_471] {strides = array<i32>} : memref<1600x32xf32, #tpu.memory_space<vmem>>, vector<1x16xf32>,
        %get3A_473 = vector.shape_cast %get3A_472 : vector<1x16xf32> to vector<16xf32>
        %add3A_474 = arith.addf %get3A_473, %get3A_348 : vector<16xf32>
        %swap3A_475 = arith.index_cast %add3A_459 : i32 to index
        %swap3A_476 = arith.constant 16 : index
        %swap3A_477 = tpu.vector_load %arg7[%swap3A_475, %swap3A_476] {strides = array<i32>} : memref<1600x32xf32, #tpu.memory_space<vmem>>, vector<1x16xf32>,
        %swap3A_478 = vector.shape_cast %swap3A_477 : vector<1x16xf32> to vector<16xf32>
        %swap3A_479 = vector.shape_cast %add3A_474 : vector<16xf32> to vector<1x16xf32>
        tpu.vector_store %arg7[%swap3A_475, %swap3A_476], %swap3A_479 {strides = array<i32>} : memref<1600x32xf32, #tpu.memory_space<vmem>>, vector<1x16xf32>,
        %add3A_480 = arith.constant 1200 : i32
        %add3A_481 = arith.addi %add3A_480, %scan3A_341 : i32
        %get3A_482 = arith.index_cast %add3A_481 : i32 to index
        %get3A_483 = arith.constant 0 : index
        %get3A_484 = tpu.vector_load %arg7[%get3A_482, %get3A_483] {strides = array<i32>} : memref<1600x32xf32, #tpu.memory_space<vmem>>, vector<1x16xf32>,
        %get3A_485 = vector.shape_cast %get3A_484 : vector<1x16xf32> to vector<16xf32>
        %add3A_486 = arith.addf %get3A_485, %get3A_344 : vector<16xf32>
        %swap3A_487 = arith.index_cast %add3A_481 : i32 to index
        %swap3A_488 = arith.constant 0 : index
        %swap3A_489 = tpu.vector_load %arg7[%swap3A_487, %swap3A_488] {strides = array<i32>} : memref<1600x32xf32, #tpu.memory_space<vmem>>, vector<1x16xf32>,
        %swap3A_490 = vector.shape_cast %swap3A_489 : vector<1x16xf32> to vector<16xf32>
        %swap3A_491 = vector.shape_cast %add3A_486 : vector<16xf32> to vector<1x16xf32>
        tpu.vector_store %arg7[%swap3A_487, %swap3A_488], %swap3A_491 {strides = array<i32>} : memref<1600x32xf32, #tpu.memory_space<vmem>>, vector<1x16xf32>,
        %get3A_492 = arith.index_cast %add3A_481 : i32 to index
        %get3A_493 = arith.constant 16 : index
        %get3A_494 = tpu.vector_load %arg7[%get3A_492, %get3A_493] {strides = array<i32>} : memref<1600x32xf32, #tpu.memory_space<vmem>>, vector<1x16xf32>,
        %get3A_495 = vector.shape_cast %get3A_494 : vector<1x16xf32> to vector<16xf32>
        %add3A_496 = arith.addf %get3A_495, %get3A_348 : vector<16xf32>
        %swap3A_497 = arith.index_cast %add3A_481 : i32 to index
        %swap3A_498 = arith.constant 16 : index
        %swap3A_499 = tpu.vector_load %arg7[%swap3A_497, %swap3A_498] {strides = array<i32>} : memref<1600x32xf32, #tpu.memory_space<vmem>>, vector<1x16xf32>,
        %swap3A_500 = vector.shape_cast %swap3A_499 : vector<1x16xf32> to vector<16xf32>
        %swap3A_501 = vector.shape_cast %add3A_496 : vector<16xf32> to vector<1x16xf32>
        tpu.vector_store %arg7[%swap3A_497, %swap3A_498], %swap3A_501 {strides = array<i32>} : memref<1600x32xf32, #tpu.memory_space<vmem>>, vector<1x16xf32>,
        %add3A_502 = arith.constant 1400 : i32
        %add3A_503 = arith.addi %add3A_502, %scan3A_341 : i32
        %get3A_504 = arith.index_cast %add3A_503 : i32 to index
        %get3A_505 = arith.constant 0 : index
        %get3A_506 = tpu.vector_load %arg7[%get3A_504, %get3A_505] {strides = array<i32>} : memref<1600x32xf32, #tpu.memory_space<vmem>>, vector<1x16xf32>,
        %get3A_507 = vector.shape_cast %get3A_506 : vector<1x16xf32> to vector<16xf32>
        %add3A_508 = arith.addf %get3A_507, %get3A_344 : vector<16xf32>
        %swap3A_509 = arith.index_cast %add3A_503 : i32 to index
        %swap3A_510 = arith.constant 0 : index
        %swap3A_511 = tpu.vector_load %arg7[%swap3A_509, %swap3A_510] {strides = array<i32>} : memref<1600x32xf32, #tpu.memory_space<vmem>>, vector<1x16xf32>,
        %swap3A_512 = vector.shape_cast %swap3A_511 : vector<1x16xf32> to vector<16xf32>
        %swap3A_513 = vector.shape_cast %add3A_508 : vector<16xf32> to vector<1x16xf32>
        tpu.vector_store %arg7[%swap3A_509, %swap3A_510], %swap3A_513 {strides = array<i32>} : memref<1600x32xf32, #tpu.memory_space<vmem>>, vector<1x16xf32>,
        %get3A_514 = arith.index_cast %add3A_503 : i32 to index
        %get3A_515 = arith.constant 16 : index
        %get3A_516 = tpu.vector_load %arg7[%get3A_514, %get3A_515] {strides = array<i32>} : memref<1600x32xf32, #tpu.memory_space<vmem>>, vector<1x16xf32>,
        %get3A_517 = vector.shape_cast %get3A_516 : vector<1x16xf32> to vector<16xf32>
        %add3A_518 = arith.addf %get3A_517, %get3A_348 : vector<16xf32>
        %swap3A_519 = arith.index_cast %add3A_503 : i32 to index
        %swap3A_520 = arith.constant 16 : index
        %swap3A_521 = tpu.vector_load %arg7[%swap3A_519, %swap3A_520] {strides = array<i32>} : memref<1600x32xf32, #tpu.memory_space<vmem>>, vector<1x16xf32>,
        %swap3A_522 = vector.shape_cast %swap3A_521 : vector<1x16xf32> to vector<16xf32>
        %swap3A_523 = vector.shape_cast %add3A_518 : vector<16xf32> to vector<1x16xf32>
        tpu.vector_store %arg7[%swap3A_519, %swap3A_520], %swap3A_523 {strides = array<i32>} : memref<1600x32xf32, #tpu.memory_space<vmem>>, vector<1x16xf32>,
      }
      %scan3A_335 = arith.constant 200 : i32
      %mul3A_336 = arith.constant 25600 : i32
      %mul3A_337 = arith.muli %add3A, %mul3A_336 : i32
      %mul3A_338 = arith.constant 1600 : i32
      %mul3A_339 = arith.muli %scan3A_6, %mul3A_338 : i32
      %add3A_340 = arith.addi %mul3A_337, %mul3A_339 : i32
      "tpu.region"() ({
        %run_scoped3A = tpu.sem_alloc : memref<!tpu.dma_semaphore, #tpu.memory_space<semaphore_mem>>
        %dma_start3A_341 = arith.constant 0 : i32
        %dma_start3A_342 = tpu.memref_slice %arg5[%add3A_340, %dma_start3A_341] : memref<819200x32xf32, #tpu.memory_space<hbm>> -> memref<1600x32xf32, #tpu.memory_space<hbm>>
        %dma_start3A_343 = arith.constant 0 : i32
        %dma_start3A_344 = tpu.memref_slice %arg5[%add3A_340, %dma_start3A_343] : memref<819200x32xf32, #tpu.memory_space<hbm>> -> memref<1600x32xf32, #tpu.memory_space<hbm>>
        tpu.enqueue_dma source(%arg7 : memref<1600x32xf32, #tpu.memory_space<vmem>>) target(%dma_start3A_344 : memref<1600x32xf32, #tpu.memory_space<hbm>>) target_semaphore(%run_scoped3A : memref<!tpu.dma_semaphore, #tpu.memory_space<semaphore_mem>>)
        %dma_wait3A_345 = arith.constant 0 : i32
        %dma_wait3A_346 = tpu.memref_slice %arg5[%add3A_340, %dma_wait3A_345] : memref<819200x32xf32, #tpu.memory_space<hbm>> -> memref<1600x32xf32, #tpu.memory_space<hbm>>
        %dma_wait3A_347 = arith.constant 0 : i32
        %dma_wait3A_348 = tpu.memref_slice %arg5[%add3A_340, %dma_wait3A_347] : memref<819200x32xf32, #tpu.memory_space<hbm>> -> memref<1600x32xf32, #tpu.memory_space<hbm>>
        tpu.wait_dma2 semaphore(%run_scoped3A : memref<!tpu.dma_semaphore, #tpu.memory_space<semaphore_mem>>) src(%arg7 : memref<1600x32xf32, #tpu.memory_space<vmem>>) dst(%dma_wait3A_348 : memref<1600x32xf32, #tpu.memory_space<hbm>>)
        tpu.yield
      }) : () -> ()
    }
    %scan3A_5 = arith.constant 16 : i32
    return
  }
}

module attributes {stable_mosaic.version = 14 : i64} {
  func.func @body(%arg0: i32, %arg1: memref<32x2048xf32, #tpu.memory_space<vmem>>, %arg2: memref<512x128xf32, #tpu.memory_space<vmem>>) attributes {dimension_semantics = [#tpu.dimension_semantics<arbitrary>], iteration_bounds = array<i64: 489>, scalar_prefetch = 0 : i64, scratch_operands = 0 : i64, tpu.core_type = #tpu.core_type<tc>, window_params = [{transform_indices = @transform_0, window_bounds = array<i64: 32, 2048>}, {transform_indices = @transform_1, window_bounds = array<i64: 512, 128>}]} {
    %get3A = arith.constant 0 : index
    %get3A_0 = arith.constant 0 : index
    %get3A_1 = vector.load %arg1[%get3A, %get3A_0] : memref<32x2048xf32, #tpu.memory_space<vmem>>, vector<32x2048xf32>
    %concatenate3A = tpu.concatenate %get3A_1, %get3A_1, %get3A_1, %get3A_1 in 0 : vector<32x2048xf32>, vector<32x2048xf32>, vector<32x2048xf32>, vector<32x2048xf32> -> vector<128x2048xf32>
    %transpose3A = tpu.transpose %concatenate3A, [1, 0] : vector<128x2048xf32> -> vector<2048x128xf32>
    %reshape3A = vector.shape_cast %transpose3A : vector<2048x128xf32> to vector<512x4x128xf32>
    %iota3A = tpu.iota {dimensions = array<i32: 1>} : vector<512x128xi32>
    %jit3A = arith.constant 32 : i32
    %div3A = vector.broadcast %jit3A : i32 to vector<512x128xi32>
    %div3A_2 = arith.divsi %iota3A, %div3A : vector<512x128xi32>
    %sign3A = arith.constant 0 : i32
    %sign3A_3 = vector.broadcast %sign3A : i32 to vector<512x128xi32>
    %sign3A_4 = arith.cmpi sgt, %iota3A, %sign3A_3 : vector<512x128xi32>
    %sign3A_5 = arith.extui %sign3A_4 : vector<512x128xi1> to vector<512x128xi32>
    %sign3A_6 = arith.constant 0 : i32
    %sign3A_7 = vector.broadcast %sign3A_6 : i32 to vector<512x128xi32>
    %sign3A_8 = arith.cmpi slt, %iota3A, %sign3A_7 : vector<512x128xi32>
    %sign3A_9 = arith.extui %sign3A_8 : vector<512x128xi1> to vector<512x128xi32>
    %sign3A_10 = arith.subi %sign3A_5, %sign3A_9 : vector<512x128xi32>
    %sign3A_11 = arith.constant 0 : i32
    %sign3A_12 = arith.cmpi sgt, %jit3A, %sign3A_11 : i32
    %sign3A_13 = arith.extui %sign3A_12 : i1 to i32
    %sign3A_14 = arith.constant 0 : i32
    %sign3A_15 = arith.cmpi slt, %jit3A, %sign3A_14 : i32
    %sign3A_16 = arith.extui %sign3A_15 : i1 to i32
    %sign3A_17 = arith.subi %sign3A_13, %sign3A_16 : i32
    %ne3A = vector.broadcast %sign3A_17 : i32 to vector<512x128xi32>
    %ne3A_18 = arith.cmpi ne, %sign3A_10, %ne3A : vector<512x128xi32>
    %rem3A = vector.broadcast %jit3A : i32 to vector<512x128xi32>
    %rem3A_19 = arith.remsi %iota3A, %rem3A : vector<512x128xi32>
    %ne3A_20 = arith.constant 0 : i32
    %ne3A_21 = vector.broadcast %ne3A_20 : i32 to vector<512x128xi32>
    %ne3A_22 = arith.cmpi ne, %rem3A_19, %ne3A_21 : vector<512x128xi32>
    %and3A = arith.andi %ne3A_18, %ne3A_22 : vector<512x128xi1>
    %sub3A = arith.constant 1 : i32
    %sub3A_23 = vector.broadcast %sub3A : i32 to vector<512x128xi32>
    %sub3A_24 = arith.subi %div3A_2, %sub3A_23 : vector<512x128xi32>
    %select_n3A = arith.select %and3A, %sub3A_24, %div3A_2 : vector<512x128xi1>, vector<512x128xi32>
    %slice3A = vector.extract_strided_slice %reshape3A {offsets = [0, 0, 0], sizes = [512, 1, 128], strides = [1, 1, 1]} : vector<512x4x128xf32> to vector<512x1x128xf32>
    %squeeze3A = vector.shape_cast %slice3A : vector<512x1x128xf32> to vector<512x128xf32>
    %eq3A = arith.constant 1 : i32
    %eq3A_25 = vector.broadcast %eq3A : i32 to vector<512x128xi32>
    %eq3A_26 = arith.cmpi eq, %select_n3A, %eq3A_25 : vector<512x128xi32>
    %slice3A_27 = vector.extract_strided_slice %reshape3A {offsets = [0, 1, 0], sizes = [512, 1, 128], strides = [1, 1, 1]} : vector<512x4x128xf32> to vector<512x1x128xf32>
    %squeeze3A_28 = vector.shape_cast %slice3A_27 : vector<512x1x128xf32> to vector<512x128xf32>
    %select_n3A_29 = arith.select %eq3A_26, %squeeze3A_28, %squeeze3A : vector<512x128xi1>, vector<512x128xf32>
    %eq3A_30 = arith.constant 2 : i32
    %eq3A_31 = vector.broadcast %eq3A_30 : i32 to vector<512x128xi32>
    %eq3A_32 = arith.cmpi eq, %select_n3A, %eq3A_31 : vector<512x128xi32>
    %slice3A_33 = vector.extract_strided_slice %reshape3A {offsets = [0, 2, 0], sizes = [512, 1, 128], strides = [1, 1, 1]} : vector<512x4x128xf32> to vector<512x1x128xf32>
    %squeeze3A_34 = vector.shape_cast %slice3A_33 : vector<512x1x128xf32> to vector<512x128xf32>
    %select_n3A_35 = arith.select %eq3A_32, %squeeze3A_34, %select_n3A_29 : vector<512x128xi1>, vector<512x128xf32>
    %eq3A_36 = arith.constant 3 : i32
    %eq3A_37 = vector.broadcast %eq3A_36 : i32 to vector<512x128xi32>
    %eq3A_38 = arith.cmpi eq, %select_n3A, %eq3A_37 : vector<512x128xi32>
    %slice3A_39 = vector.extract_strided_slice %reshape3A {offsets = [0, 3, 0], sizes = [512, 1, 128], strides = [1, 1, 1]} : vector<512x4x128xf32> to vector<512x1x128xf32>
    %squeeze3A_40 = vector.shape_cast %slice3A_39 : vector<512x1x128xf32> to vector<512x128xf32>
    %select_n3A_41 = arith.select %eq3A_38, %squeeze3A_40, %select_n3A_35 : vector<512x128xi1>, vector<512x128xf32>
    %swap3A = arith.constant 0 : index
    %swap3A_42 = arith.constant 0 : index
    %swap3A_43 = vector.load %arg2[%swap3A, %swap3A_42] : memref<512x128xf32, #tpu.memory_space<vmem>>, vector<512x128xf32>
    tpu.vector_store %arg2[%swap3A, %swap3A_42], %select_n3A_41 {strides = array<i32>} : memref<512x128xf32, #tpu.memory_space<vmem>>, vector<512x128xf32>,
    return
  }
  func.func @transform_0(%arg0: i32) -> (i32, i32) {
    %c0_i32 = arith.constant 0 : i32
    %c0_i32_0 = arith.constant 0 : i32
    return %c0_i32, %arg0 : i32, i32
  }
  func.func @transform_1(%arg0: i32) -> (i32, i32) {
    %c0_i32 = arith.constant 0 : i32
    %c0_i32_0 = arith.constant 0 : i32
    return %arg0, %c0_i32 : i32, i32
  }
}

module attributes {stable_mosaic.version = 14 : i64} {
  func.func @body(%arg0: i32, %arg1: memref<6400x128xf32, #tpu.memory_space<vmem>>, %arg2: memref<200x32x128xf32, #tpu.memory_space<vmem>>) attributes {dimension_semantics = [#tpu.dimension_semantics<arbitrary>], iteration_bounds = array<i64: 32>, scalar_prefetch = 0 : i64, scratch_operands = 0 : i64, tpu.core_type = #tpu.core_type<tc>, window_params = [{transform_indices = @transform_0, window_bounds = array<i64: 6400, 128>}, {transform_indices = @transform_1, window_bounds = array<i64: 200, 32, 128>}]} {
    %get3A = arith.constant 0 : index
    %get3A_0 = arith.constant 0 : index
    %get3A_1 = vector.load %arg1[%get3A, %get3A_0] : memref<6400x128xf32, #tpu.memory_space<vmem>>, vector<6400x128xf32>
    %reshape3A = vector.shape_cast %get3A_1 : vector<6400x128xf32> to vector<128x50x128xf32>
    %transpose3A = tpu.transpose %reshape3A, [1, 2, 0] : vector<128x50x128xf32> -> vector<50x128x128xf32>
    %reshape3A_2 = vector.shape_cast %transpose3A : vector<50x128x128xf32> to vector<200x32x128xf32>
    %swap3A = arith.constant 0 : index
    %swap3A_3 = arith.constant 0 : index
    %swap3A_4 = arith.constant 0 : index
    %swap3A_5 = vector.load %arg2[%swap3A, %swap3A_3, %swap3A_4] : memref<200x32x128xf32, #tpu.memory_space<vmem>>, vector<200x32x128xf32>
    tpu.vector_store %arg2[%swap3A, %swap3A_3, %swap3A_4], %reshape3A_2 {strides = array<i32>} : memref<200x32x128xf32, #tpu.memory_space<vmem>>, vector<200x32x128xf32>,
    return
  }
  func.func @transform_0(%arg0: i32) -> (i32, i32) {
    %c0_i32 = arith.constant 0 : i32
    %c0_i32_0 = arith.constant 0 : i32
    return %arg0, %c0_i32 : i32, i32
  }
  func.func @transform_1(%arg0: i32) -> (i32, i32, i32) {
    %c0_i32 = arith.constant 0 : i32
    %c0_i32_0 = arith.constant 0 : i32
    %c0_i32_1 = arith.constant 0 : i32
    return %c0_i32, %c0_i32_0, %arg0 : i32, i32, i32
  }
}

</mosaic_0001>

<sc_bundles>
// kernel: kernel.5.cloned.1.call-start
scs
__scs_entry_jumppad:
0x0: {  	(pc) =	sbr.rel $0x88, $3  }
0x1: {  	(tag) =	ssettag $0x0;
	lr =	simm.s32 $0x1  }
0x2: {  	[smem:$0x3F9E] =	sst lr;
	_ =	strace $0xD0000000  }
0x3: {  	_ = 	snop  }
0x4: {  	_ = 	snop  }
0x5: {  	_ = 	snop  }
0x6: {  	_ = 	snop  }
0x7: {  	_ = 	snop  }
__scs_overlays_trampoline_lowered:
0x8: {  	[smem:$0x3FAD] =	sst s0  }
0x9: {  	[smem:$0x3FAE] =	sst s1  }
0xa: {  	[smem:$0x3FAF] =	sst s2  }
0xb: {  	[smem:$0x3FB0] =	sst s3  }
0xc: {  	[smem:$0x3FB1] =	sst s4  }
0xd: {  	[smem:$0x3FB2] =	sst s5  }
0xe: {  	[smem:$0x3FB3] =	sst s6  }
0xf: {  	[smem:$0x3FB4] =	sst s7  }
0x10: {  	[smem:$0x3FB5] =	sst s8  }
0x11: {  	[smem:$0x3FB6] =	sst s9;
	s0 =	simm.s32 @!p0 $0x0  }
0x12: {  	s1 =	sld [smem:$0x3F9C];
	s0 =	simm.s32 @p0 $0x1  }
0x13: {  	[smem:$0x3FB7] =	sst s0;
	s0 =	simm.s32 @!p1 $0x0  }
0x14: {  	s2 =	sld [smem:$0x3F9B];
	s0 =	simm.s32 @p1 $0x1  }
0x15: {  	[smem:$0x3FB8] =	sst s0;
	s0 =	simm.s32 @!p2 $0x0  }
0x16: {  	s3 =	sld [smem:$0x3FDB];
	s0 =	simm.s32 @p2 $0x1  }
0x17: {  	s4 =	simm.s32 $0x1BF5;
	[smem:$0x3FBA] =	sst s0  }
0x18: {  	s0 =	sld [smem:$0x3F9D];
	_ =	swait.ge [sflag:s4], $0x0  }
0x19: {  	s7 =	sld [smem:$0x3F9E]  }
0x1a: {  	s8 =	sadd.s32 $0xFFFFE003, lr  }
0x1b: {  	s9 =	sadd.s32 $0xFFFFFEF7, lr;
	s5 =	simm.s32 $0xFFFFFFFF;
	p2 =	slt.u32 s8, $0xFFFFF086  }
0x1c: {  	p1 =	slt.u32 s9, $0xF7A;
	s5 =	simm.s32 @!p2 $0x0  }
0x1d: {  	s5 =	simm.s32 @p1 $0x1;
	p0 =	seq.s32 s7, s2  }
0x1e: {  	s7 =	smul.u32 @!p0 $0xF7A, s2;
	p2 =	seq.s32 @!p0 s5, $0x0  }
0x1f: {  	s9 =	smul.u32 $0xF7A, s1;
	s8 =	simm.s32 @!p0 $0x1BF5;
	p2 =	por !p2, p0  }
0x20: {  	[sflag:s8] =	ssyncset.s32 @!p0 $0xFFFFF086;
	s6 =	sadd.s32 @!p0 s3, s7;
	s7 =	simm.s32 @!p0 $0x108  }
0x21: {  	s3 =	sadd.s32 s3, s9;
	s6 =	sadd.s32 @!p0 $0x88, s6;
	s7 =	simm.s32 @p2 $0x1082  }
0x22: {  	[simem:s7], [sflag:s8] =	dma.local @!p0 [hbm:s6], $0xF7A  }
0x23: {  	s9 =	sor.u32 $0xD0000000, s2;
	s6 =	simm.s32 $0x108;
	_ =	swait.ge @!p0 [sflag:s8], $0x0  }
0x24: {  	s3 =	sadd.s32 $0x88, s3;
	s6 =	simm.s32 @!p1 $0x1082;
	[sflag:s4] =	ssyncset.s32 $0xFFFFF086  }
0x25: {  	[simem:s6], [sflag:s4] =	dma.local [hbm:s3], $0xF7A  }
0x26: {  	[smem:$0x3F9E] =	sst s1;
	(tag) =	ssettag s2;
	_ =	strace s9  }
0x27: {  	s1 =	sld [smem:$0x3FAE]  }
0x28: {  	s2 =	sld [smem:$0x3FAF]  }
0x29: {  	s4 =	sld [smem:$0x3FB1]  }
0x2a: {  	p0 =	seq.s32 s5, $0x0;
	s5 =	sld [smem:$0x3FB2]  }
0x2b: {  	s6 =	sld [smem:$0x3FB3]  }
0x2c: {  	s7 =	sld [smem:$0x3FB4]  }
0x2d: {  	s3 =	simm.s32 $0x108;
	s8 =	sld [smem:$0x3FB5]  }
0x2e: {  	s3 =	simm.s32 @!p0 $0x1082;
	s9 =	sld [smem:$0x3FB6]  }
0x2f: {  	lr =	sadd.s32 s0, s3;
	s0 =	sld [smem:$0x3FAD]  }
0x30: {  	s3 =	sld [smem:$0x3FB0]  }
0x31: {  	[smem:$0x3FB9] =	sst s10  }
0x32: {  	s10 =	sld [smem:$0x3FB7];
	_ =	sdelay $0x3  }
0x33: {  	p0 =	seq.s32 s10, $0x1;
	s10 =	sld [smem:$0x3FB9];
	_ =	sdelay $0x3  }
0x34: {  	[smem:$0x3FB9] =	sst s10  }
0x35: {  	s10 =	sld [smem:$0x3FB8];
	_ =	sdelay $0x3  }
0x36: {  	p1 =	seq.s32 s10, $0x1;
	s10 =	sld [smem:$0x3FB9];
	_ =	sdelay $0x3  }
0x37: {  	[smem:$0x3FB9] =	sst s10  }
0x38: {  	s10 =	sld [smem:$0x3FBA]  }
0x39: {  	_ = 	snop;
	(pc) =	sbr.ind lr, $3  }
0x3a: {  	_ = 	snop  }
0x3b: {  	_ = 	snop  }
0x3c: {  	p2 =	seq.s32 s10, $0x1;
	s10 =	sld [smem:$0x3FB9]  }
0x3d: {  	_ =	shalt  }
0x3e: {  	_ =	shalt  }
0x3f: {  	_ =	shalt  }
0x40: {  	_ =	shalt  }
0x41: {  	_ =	shalt  }
0x42: {  	_ =	shalt  }
0x43: {  	_ =	shalt  }
0x44: {  	_ =	shalt  }
0x45: {  	_ =	shalt  }
0x46: {  	_ =	shalt  }
0x47: {  	_ =	shalt  }
0x48: {  	_ =	shalt  }
0x49: {  	_ =	shalt  }
0x4a: {  	_ =	shalt  }
0x4b: {  	_ =	shalt  }
0x4c: {  	_ =	shalt  }
0x4d: {  	_ =	shalt  }
0x4e: {  	_ =	shalt  }
0x4f: {  	_ =	shalt  }
0x50: {  	_ =	shalt  }
0x51: {  	_ =	shalt  }
0x52: {  	_ =	shalt  }
0x53: {  	_ =	shalt  }
0x54: {  	_ =	shalt  }
0x55: {  	_ =	shalt  }
0x56: {  	_ =	shalt  }
0x57: {  	_ =	shalt  }
0x58: {  	_ =	shalt  }
0x59: {  	_ =	shalt  }
0x5a: {  	_ =	shalt  }
0x5b: {  	_ =	shalt  }
0x5c: {  	_ =	shalt  }
0x5d: {  	_ =	shalt  }
0x5e: {  	_ =	shalt  }
0x5f: {  	_ =	shalt  }
0x60: {  	_ =	shalt  }
0x61: {  	_ =	shalt  }
0x62: {  	_ =	shalt  }
0x63: {  	_ =	shalt  }
0x64: {  	_ =	shalt  }
0x65: {  	_ =	shalt  }
0x66: {  	_ =	shalt  }
0x67: {  	_ =	shalt  }
0x68: {  	_ =	shalt  }
0x69: {  	_ =	shalt  }
0x6a: {  	_ =	shalt  }
0x6b: {  	_ =	shalt  }
0x6c: {  	_ =	shalt  }
0x6d: {  	_ =	shalt  }
0x6e: {  	_ =	shalt  }
0x6f: {  	_ =	shalt  }
0x70: {  	_ =	shalt  }
0x71: {  	_ =	shalt  }
0x72: {  	_ =	shalt  }
0x73: {  	_ =	shalt  }
0x74: {  	_ =	shalt  }
0x75: {  	_ =	shalt  }
0x76: {  	_ =	shalt  }
0x77: {  	_ =	shalt  }
0x78: {  	_ =	shalt  }
0x79: {  	_ =	shalt  }
0x7a: {  	_ =	shalt  }
0x7b: {  	_ =	shalt  }
0x7c: {  	_ =	shalt  }
0x7d: {  	_ =	shalt  }
0x7e: {  	_ =	shalt  }
0x7f: {  	_ =	shalt  }
0x80: {  	_ =	shalt  }
0x81: {  	_ =	shalt  }
0x82: {  	_ =	shalt  }
0x83: {  	_ =	shalt  }
0x84: {  	_ =	shalt  }
0x85: {  	_ =	shalt  }
0x86: {  	_ =	shalt  }
0x87: {  	_ =	shalt  }
.Lfunc_end0:
.L_simem_size_0:
called_computation_lowered:
.L_overlay_start_0:
0x88: {  	s2 =	sld [smem:$0x3FD9]  }
0x89: {  	s3 =	sld [smem:$0x3FFE];
	_ =	sdelay $0x1  }
0x8a: {  	s1 =	srdreg.scid  }
0x8b: {  	s0 =	sand.u32 $0x1, s1  }
0x8c: {  	s17 =	sshll.u32 s0, $0xA;
	s2 =	sadd.s32 s3, s2  }
0x8d: {  	s2 =	sadd.s32 s2, s17  }
0x8e: {  	[smem:$0x3FC5] =	sst s2  }
0x8f: {  	_ = 	snop  }
0x90: {  	s2 =	sld [smem:$0x3FD0];
	(tm) =	ssettm $0x1  }
0x91: {  	s18 =	sld [smem:$0x3FFB];
	_ =	sdelay $0x3  }
0x92: {  	_ =	strace s18  }
0x93: {  	s3 =	sld [smem:$0x3FFC];
	_ =	sdelay $0x3  }
0x94: {  	_ =	strace s3  }
0x95: {  	s3 =	sld [smem:$0x3FFD];
	_ =	sdelay $0x3  }
0x96: {  	_ =	strace s3  }
0x97: {  	_ =	strace $0x8FFFFFFF  }
0x98: {  	s19 =	sld [smem:$0x3FDB];
	_ =	sdelay $0x1  }
0x99: {  	s4 =	simm.s32 $_scs_section_size  }
0x9a: {  	s5 =	simm.s32 $_size__tile_overlayer_lowered;
	s6 =	simm.s32 $_tile_overlayer_lowered  }
0x9b: {  	s22 =	simm.s32 $0x1BFF;
	s21 =	sshll.u32 s6, $0x1;
	s3 =	sadd.s32 s4, s19  }
0x9c: {  	s7 =	simm.s32 $0x0;
	s20 =	sshll.u32 s5, $0x1;
	s5 =	sadd.s32 s21, s3  }
0x9d: {  	[timem:s7], [sflag:s22] =	dma.local [hbm:s5], s20  }
0x9e: {  	_ =	swait.ge [sflag:s22], s20  }
0x9f: {  	s4 =	ssub.s32 $0x0, s20;
	[sflag:s22] =	ssyncset.done $0x0  }
0xa0: {  	[sflag:s22] =	ssyncadd.s32 s4;
	_ =	sdelay $0x1  }
0xa1: {  	s23 =	simm.s32 $0x1B8B  }
0xa2: {  	_ =	swait.ge [sflag:s23], $0x1  }
0xa3: {  	[sflag:s23] =	ssyncset.done $0x0  }
0xa4: {  	s25 =	simm.s32 $0x1B8E;
	s24 =	sld [smem:$0x3FFE];
	[sflag:s23] =	ssyncadd.s32 $0xFFFFFFFF  }
0xa5: {  	s26 =	simm.s32 $execute0_lowered;
	[smem:$0x3FD2] =	sst s25  }
0xa6: {  	s5 =	sshll.u32 s26, $0x1;
	_ =	strace $0x80000046;
	[dreg:$0x1] =	wrdreg $0xFFFFFFFF  }
0xa7: {  	s28 =	simm.s32 $_size_execute0_lowered;
	s3 =	sadd.s32 s3, s5;
	[dreg:$0x0] =	wrdreg $0x0  }
0xa8: {  	s5 =	sshll.u32 s28, $0x1;
	[dreg:$0x2] =	wrdreg s3  }
0xa9: {  	[dreg:$0x3] =	wrdreg s5  }
0xaa: {  	[dreg:$0x4] =	wrdreg $0xC0  }
0xab: {  	_ =	task [dreg:s7], $0x5FFFF  }
0xac: {  	[dreg:$0x1] =	wrdreg $0xFFFFFFFF  }
0xad: {  	[dreg:$0x0] =	wrdreg $0x60  }
0xae: {  	[dreg:$0x2] =	wrdreg s2  }
0xaf: {  	[dreg:$0x3] =	wrdreg s24  }
0xb0: {  	[dreg:$0x4] =	wrdreg $0x9  }
0xb1: {  	_ =	task.clear_ibuf [dreg:s7], $0x5FFFF;
	_ =	strace $0x90000046  }
0xb2: {  	s29 =	simm.s32 $0x9;
	_ =	strace $0x80000048  }
0xb3: {  	_ =	swait.ge [sflag:s29], $0x1  }
0xb4: {  	[sflag:s29] =	ssyncadd.s32 $0xFFFFFFFF  }
0xb5: {  	_ =	strace $0x90000048  }
0xb6: {  	_ =	sfence  }
0xb7: {  	s30 =	sld [smem:$0x0];
	_ =	sdelay $0x2  }
0xb8: {  	s31 =	sshll.u32 s1, $0xD;
	s1 =	sshrl.u32 s1, $0x2  }
0xb9: {  	s3 =	sand.u32 $0x4000, s31;
	s1 =	sadd.s32 s1, s30  }
0xba: {  	s0 =	sor.u32 s3, s0;
	s1 =	sshll.u32 s1, $0x11  }
0xbb: {  	s0 =	sor.u32 s1, s0  }
0xbc: {  	s0 =	sadd.s32 $0x8F2B, s0  }
0xbd: {  	[sflag:s0] =	ssyncadd.remote.s32 $0x1  }
0xbe: {  	_ =	sfence.sel $0xFFFF  }
0xbf: {  	[dreg:$0x0] =	wrdreg $0xFFFFFFFF;
	(pc) =	sbr.abs _section_cstart, $3  }
0xc0: {  	[dreg:$0x1] =	wrdreg $0xFFFFFFFF  }
0xc1: {  	_ =	task.clear_ibuf [dreg:s7], $0x2FFFF;
	_ =	strace $0x9FFFFFFF  }
0xc2: {  	(tm) =	ssettm $0x7FFFFFFF  }
0xc3: {  	_ =	shalt  }
tec
execute0_lowered:
.L_overlay_start_1:
0x0: {  	(tag) =	ssettag $0x1  }
0x1: {  	s0 =	rddreg [dreg:$0x1];
	s1 =	simm.s32 $0x0  }
0x2: {  	s24 =	srdreg.scid;
	s5 =	stileid.u32;
	s11 =	simm.s32 $0x2  }
0x3: {  	s12 =	simm.s32 $0x64;
	s13 =	simm.s32 $0x680;
	s28 =	simm.s32 $0x5E00  }
0x4: {  	s29 =	simm.s32 $0x340;
	s30 =	simm.s32 $0x6A80;
	s31 =	simm.s32 $0x3A8  }
0x5: {  	s10 =	simm.s32 $0x8380;
	s9 =	simm.s32 $0x9000;
	s14 =	simm.s32 $0x548  }
0x6: {  	s15 =	simm.s32 $0xA900;
	s16 =	simm.s32 $0x5B0;
	s17 =	simm.s32 $0xB580  }
0x7: {  	s18 =	simm.s32 $0x618;
	s19 =	simm.s32 $0xC200;
	s20 =	simm.s32 $0x1  }
0x8: {  	s22 =	simm.s32 $0x0;
	[smem:$0x7FF] =	sst s1;
	s1 =	sand.u32 $0x1, s24  }
0x9: {  	s4 =	sadd.s32 $0x800, s0;
	s3 =	sadd.s32 $0x400, s0;
	s5 =	sshll.u32 s5, $0x1  }
0xa: {  	s6 =	sadd.s32 $0x3D1200, s0;
	_ =	strace $0x80000047;
	s2 =	ssub.s32 $0x2, s1  }
0xb: {  	[dreg:$0x3] =	wrdreg s3;
	s1 =	sor.u32 s1, s5;
	s3 =	simm.s32 $0x410  }
0xc: {  	s5 =	simm.s32 $0x478;
	s25 =	sshrl.u32 s2, $0x1;
	s7 =	sshll.u32 s1, $0x8  }
0xd: {  	s8 =	smul.u32 $0x6400, s1;
	s1 =	simm.s32 $0x4E0;
	s26 =	ssub.s32 s2, s25  }
0xe: {  	s25 =	simm.s32 $0x5180;
	s2 =	simm.s32 $0x9C80;
	s0 =	smax.u32 s26, $0x1  }
0xf: {  	s26 =	simm.s32 $0x2D8;
	[dreg:$0x4] =	wrdreg s0;
	s0 =	simm.s32 $0x7700  }
.LBB2_1:
0x10: {  	[dreg:$0x5] =	wrdreg s22  }
0x11: {  	s21 =	simm.s32 $0x0;
	s24 =	rddreg [dreg:$0x3];
	s23 =	simm.s32 $0xCE80  }
0x12: {  	[tilespmem:s23], [sflag:$0x2] =	stream.linear.gather [hbm4b:s24+s21], $0x1900, $0x38;
	[tilespmem:$0xE780] =	vst v63  }
0x13: {  	_ =	swait.ge [sflag:s11], $0x1900  }
0x14: {  	[sflag:s11] =	ssyncset.done $0x0  }
0x15: {  	s21 =	simm.s32 $0x0;
	[sflag:s11] =	ssyncadd.s32 $0xFFFFE700  }
.LBB2_2:
0x16: {  	s22 =	sshll.u32 s21, $0x4  }
0x17: {  	s22 =	sadd.s32 s7, s22  }
0x18: {  	s22 =	smul.u32 $0xD, s22  }
0x19: {  	s23 =	rddreg [dreg:$0x0]  }
0x1a: {  	s24 =	simm.s32 $0x0;
	s22 =	sadd.s32 s23, s22  }
0x1b: {  	[tilespmem:s24], [sflag:$0x2] =	stream.linear.gather [hbm4b:s22+s24], $0x680, $0x38;
	[tilespmem:$0xE780] =	vst v63  }
0x1c: {  	_ =	swait.ge [sflag:s11], $0x680  }
0x1d: {  	[sflag:s11] =	ssyncset.done $0x0  }
0x1e: {  	[sflag:s11] =	ssyncadd.s32 $0xFFFFF980  }
0x1f: {  	[tilespmem:s13], [sflag:$0x1] =	stream.indirect.gather [hbm4b:s4+s12], $0x20, s24, s12, $0xb8;
	[tilespmem:$0xE780] =	vst v63  }
0x20: {  	s23 =	simm.s32 $0x68;
	s24 =	simm.s32 $0x1300  }
0x21: {  	[tilespmem:s24], [sflag:$0x1] =	stream.indirect.gather [hbm4b:s4+s12], $0x20, s23, s12, $0xb8;
	[tilespmem:$0xE780] =	vst v63  }
0x22: {  	s23 =	simm.s32 $0xD0;
	s24 =	simm.s32 $0x1F80  }
0x23: {  	[tilespmem:s24], [sflag:$0x1] =	stream.indirect.gather [hbm4b:s4+s12], $0x20, s23, s12, $0xb8;
	[tilespmem:$0xE780] =	vst v63  }
0x24: {  	s23 =	simm.s32 $0x138;
	s24 =	simm.s32 $0x2C00  }
0x25: {  	[tilespmem:s24], [sflag:$0x1] =	stream.indirect.gather [hbm4b:s4+s12], $0x20, s23, s12, $0xb8;
	[tilespmem:$0xE780] =	vst v63  }
0x26: {  	s23 =	simm.s32 $0x1A0;
	s24 =	simm.s32 $0x3880  }
0x27: {  	[tilespmem:s24], [sflag:$0x1] =	stream.indirect.gather [hbm4b:s4+s12], $0x20, s23, s12, $0xb8;
	[tilespmem:$0xE780] =	vst v63  }
0x28: {  	s23 =	simm.s32 $0x208;
	s24 =	simm.s32 $0x4500  }
0x29: {  	[tilespmem:s24], [sflag:$0x1] =	stream.indirect.gather [hbm4b:s4+s12], $0x20, s23, s12, $0xb8;
	[tilespmem:$0xE780] =	vst v63  }
0x2a: {  	s24 =	simm.s32 $0x270  }
0x2b: {  	[tilespmem:s25], [sflag:$0x1] =	stream.indirect.gather [hbm4b:s4+s12], $0x20, s24, s12, $0xb8;
	[tilespmem:$0xE780] =	vst v63  }
0x2c: {  	_ = 	snop  }
0x2d: {  	[tilespmem:s28], [sflag:$0x1] =	stream.indirect.gather [hbm4b:s4+s12], $0x20, s26, s12, $0xb8;
	[tilespmem:$0xE780] =	vst v63  }
0x2e: {  	_ = 	snop  }
0x2f: {  	[tilespmem:s30], [sflag:$0x1] =	stream.indirect.gather [hbm4b:s4+s12], $0x20, s29, s12, $0xb8;
	[tilespmem:$0xE780] =	vst v63  }
0x30: {  	_ = 	snop  }
0x31: {  	[tilespmem:s0], [sflag:$0x1] =	stream.indirect.gather [hbm4b:s4+s12], $0x20, s31, s12, $0xb8;
	[tilespmem:$0xE780] =	vst v63  }
0x32: {  	_ = 	snop  }
0x33: {  	[tilespmem:s10], [sflag:$0x1] =	stream.indirect.gather [hbm4b:s4+s12], $0x20, s3, s12, $0xb8;
	[tilespmem:$0xE780] =	vst v63  }
0x34: {  	_ = 	snop  }
0x35: {  	[tilespmem:s9], [sflag:$0x1] =	stream.indirect.gather [hbm4b:s4+s12], $0x20, s5, s12, $0xb8;
	[tilespmem:$0xE780] =	vst v63  }
0x36: {  	_ = 	snop  }
0x37: {  	[tilespmem:s2], [sflag:$0x1] =	stream.indirect.gather [hbm4b:s4+s12], $0x20, s1, s12, $0xb8;
	[tilespmem:$0xE780] =	vst v63  }
0x38: {  	_ = 	snop  }
0x39: {  	[tilespmem:s15], [sflag:$0x1] =	stream.indirect.gather [hbm4b:s4+s12], $0x20, s14, s12, $0xb8;
	[tilespmem:$0xE780] =	vst v63  }
0x3a: {  	_ = 	snop  }
0x3b: {  	[tilespmem:s17], [sflag:$0x1] =	stream.indirect.gather [hbm4b:s4+s12], $0x20, s16, s12, $0xb8;
	[tilespmem:$0xE780] =	vst v63  }
0x3c: {  	_ = 	snop  }
0x3d: {  	[tilespmem:s19], [sflag:$0x1] =	stream.indirect.gather [hbm4b:s4+s12], $0x20, s18, s12, $0xb8;
	[tilespmem:$0xE780] =	vst v63  }
0x3e: {  	_ =	swait.ge [sflag:s20], $0xC80  }
0x3f: {  	[sflag:s20] =	ssyncset.done $0x0  }
0x40: {  	[sflag:s20] =	ssyncadd.s32 $0xFFFFF380  }
0x41: {  	_ =	swait.ge [sflag:s20], $0xC80  }
0x42: {  	[sflag:s20] =	ssyncset.done $0x0  }
0x43: {  	[sflag:s20] =	ssyncadd.s32 $0xFFFFF380  }
0x44: {  	_ =	swait.ge [sflag:s20], $0xC80  }
0x45: {  	[sflag:s20] =	ssyncset.done $0x0  }
0x46: {  	[sflag:s20] =	ssyncadd.s32 $0xFFFFF380  }
0x47: {  	_ =	swait.ge [sflag:s20], $0xC80  }
0x48: {  	[sflag:s20] =	ssyncset.done $0x0  }
0x49: {  	[sflag:s20] =	ssyncadd.s32 $0xFFFFF380  }
0x4a: {  	_ =	swait.ge [sflag:s20], $0xC80  }
0x4b: {  	[sflag:s20] =	ssyncset.done $0x0  }
0x4c: {  	[sflag:s20] =	ssyncadd.s32 $0xFFFFF380  }
0x4d: {  	_ =	swait.ge [sflag:s20], $0xC80  }
0x4e: {  	[sflag:s20] =	ssyncset.done $0x0  }
0x4f: {  	[sflag:s20] =	ssyncadd.s32 $0xFFFFF380  }
0x50: {  	_ =	swait.ge [sflag:s20], $0xC80  }
0x51: {  	[sflag:s20] =	ssyncset.done $0x0  }
0x52: {  	[sflag:s20] =	ssyncadd.s32 $0xFFFFF380  }
0x53: {  	_ =	swait.ge [sflag:s20], $0xC80  }
0x54: {  	[sflag:s20] =	ssyncset.done $0x0  }
0x55: {  	[sflag:s20] =	ssyncadd.s32 $0xFFFFF380  }
0x56: {  	_ =	swait.ge [sflag:s20], $0xC80  }
0x57: {  	[sflag:s20] =	ssyncset.done $0x0  }
0x58: {  	[sflag:s20] =	ssyncadd.s32 $0xFFFFF380  }
0x59: {  	_ =	swait.ge [sflag:s20], $0xC80  }
0x5a: {  	[sflag:s20] =	ssyncset.done $0x0  }
0x5b: {  	[sflag:s20] =	ssyncadd.s32 $0xFFFFF380  }
0x5c: {  	_ =	swait.ge [sflag:s20], $0xC80  }
0x5d: {  	[sflag:s20] =	ssyncset.done $0x0  }
0x5e: {  	[sflag:s20] =	ssyncadd.s32 $0xFFFFF380  }
0x5f: {  	_ =	swait.ge [sflag:s20], $0xC80  }
0x60: {  	[sflag:s20] =	ssyncset.done $0x0  }
0x61: {  	[sflag:s20] =	ssyncadd.s32 $0xFFFFF380  }
0x62: {  	_ =	swait.ge [sflag:s20], $0xC80  }
0x63: {  	[sflag:s20] =	ssyncset.done $0x0  }
0x64: {  	[sflag:s20] =	ssyncadd.s32 $0xFFFFF380  }
0x65: {  	_ =	swait.ge [sflag:s20], $0xC80  }
0x66: {  	[sflag:s20] =	ssyncset.done $0x0  }
0x67: {  	[sflag:s20] =	ssyncadd.s32 $0xFFFFF380  }
0x68: {  	_ =	swait.ge [sflag:s20], $0xC80  }
0x69: {  	[sflag:s20] =	ssyncset.done $0x0  }
0x6a: {  	[sflag:s20] =	ssyncadd.s32 $0xFFFFF380  }
0x6b: {  	_ =	swait.ge [sflag:s20], $0xC80  }
0x6c: {  	[sflag:s20] =	ssyncset.done $0x0  }
0x6d: {  	s22 =	simm.s32 $0x0;
	[sflag:s20] =	ssyncadd.s32 $0xFFFFF380  }
0x6e: {  	v1 =	vld [tilespmem:s22+$0xCE80]  }
0x6f: {  	v0 =	vld [tilespmem:s22+$0xCE90]  }
0x70: {  	v2 =	vld [tilespmem:s22+$0x680]  }
0x71: {  	v3 =	vld [tilespmem:s22+$0x690]  }
0x72: {  	v4 =	vld [tilespmem:s22+$0x1F80]  }
0x73: {  	v5 =	vld [tilespmem:s22+$0x1F90]  }
0x74: {  	v6 =	vld [tilespmem:s22+$0x3880]  }
0x75: {  	v7 =	vld [tilespmem:s22+$0x3890];
	v2 =	vadd.f32 v2, v1  }
0x76: {  	v8 =	vld [tilespmem:s22+$0x5180];
	v3 =	vadd.f32 v3, v0  }
0x77: {  	v9 =	vld [tilespmem:s22+$0x5190];
	[tilespmem:s22+$0x680] =	vst v2;
	v2 =	vadd.f32 v4, v1  }
0x78: {  	v10 =	vld [tilespmem:s22+$0x6A80];
	[tilespmem:s22+$0x690] =	vst v3;
	v3 =	vadd.f32 v5, v0  }
0x79: {  	v11 =	vld [tilespmem:s22+$0x6A90];
	[tilespmem:s22+$0x1F80] =	vst v2;
	v2 =	vadd.f32 v6, v1  }
0x7a: {  	v4 =	vadd.f32 v7, v0;
	[tilespmem:s22+$0x1F90] =	vst v3;
	v3 =	vld [tilespmem:s22+$0x8380]  }
0x7b: {  	v5 =	vadd.f32 v8, v1;
	[tilespmem:s22+$0x3880] =	vst v2;
	v2 =	vld [tilespmem:s22+$0x8390]  }
0x7c: {  	[tilespmem:s22+$0x3890] =	vst v4;
	v4 =	vld [tilespmem:s22+$0x9C80];
	v6 =	vadd.f32 v9, v0  }
0x7d: {  	v8 =	vadd.f32 v10, v1;
	[tilespmem:s22+$0x5180] =	vst v5;
	v5 =	vld [tilespmem:s22+$0x9C90]  }
0x7e: {  	s23 =	simm.s32 $0x80;
	v7 =	vadd.f32 v11, v0;
	[tilespmem:s22+$0x5190] =	vst v6;
	v6 =	vld [tilespmem:s22+$0xB580]  }
.LBB2_3:
0x7f: {  	s24 =	sshra.s32 s23, $0x2;
	p0 =	sne.s32 s23, $0x6380;
	[tilespmem:s22+$0x6A80] =	vst v8;
	v3 =	vadd.f32 v3, v1;
	v8 =	vld [tilespmem:s22+$0xB590]  }
0x80: {  	v9 =	vld [tilespmem:s24+$0xCE80];
	[tilespmem:s22+$0x6A90] =	vst v7;
	v2 =	vadd.f32 v2, v0  }
0x81: {  	v7 =	vld [tilespmem:s24+$0xCE90];
	[tilespmem:s22+$0x8380] =	vst v3;
	v3 =	vadd.f32 v4, v1  }
0x82: {  	v4 =	vld [tilespmem:s24+$0x680];
	[tilespmem:s22+$0x8390] =	vst v2;
	v2 =	vadd.f32 v5, v0  }
0x83: {  	v5 =	vld [tilespmem:s24+$0x690];
	[tilespmem:s22+$0x9C80] =	vst v3;
	v6 =	vadd.f32 v6, v1  }
0x84: {  	v3 =	vld [tilespmem:s24+$0x1F80];
	[tilespmem:s22+$0x9C90] =	vst v2;
	v8 =	vadd.f32 v8, v0  }
0x85: {  	v2 =	vld [tilespmem:s24+$0x1F90];
	[tilespmem:s22+$0xB580] =	vst v6;
	v1 =	vmov v9  }
0x86: {  	v6 =	vld [tilespmem:s24+$0x3880];
	[tilespmem:s22+$0xB590] =	vst v8;
	v0 =	vmov v7;
	s22 =	smov.u32 s24  }
0x87: {  	v4 =	vadd.f32 v4, v1;
	v7 =	vld [tilespmem:s22+$0x3890]  }
0x88: {  	v5 =	vadd.f32 v5, v0;
	v8 =	vld [tilespmem:s22+$0x5180]  }
0x89: {  	[tilespmem:s22+$0x680] =	vst v4;
	v3 =	vadd.f32 v3, v1;
	v4 =	vld [tilespmem:s22+$0x5190]  }
0x8a: {  	[tilespmem:s22+$0x690] =	vst v5;
	v2 =	vadd.f32 v2, v0;
	v5 =	vld [tilespmem:s22+$0x6A80]  }
0x8b: {  	[tilespmem:s22+$0x1F80] =	vst v3;
	v6 =	vadd.f32 v6, v1;
	v9 =	vld [tilespmem:s22+$0x6A90]  }
.Ltmp0:
0x8c: {  	[tilespmem:s22+$0x1F90] =	vst v2;
	v7 =	vadd.f32 v7, v0;
	v3 =	vld [tilespmem:s22+$0x8380];
	(pc) =	sbr.rel @p0 .LBB2_3-.Ltmp0, $4  }
0x8d: {  	[tilespmem:s22+$0x3880] =	vst v6;
	v6 =	vadd.f32 v8, v1;
	v2 =	vld [tilespmem:s22+$0x8390]  }
0x8e: {  	[tilespmem:s22+$0x3890] =	vst v7;
	v7 =	vadd.f32 v4, v0;
	v4 =	vld [tilespmem:s22+$0x9C80]  }
0x8f: {  	[tilespmem:s22+$0x5180] =	vst v6;
	v8 =	vadd.f32 v5, v1;
	v5 =	vld [tilespmem:s22+$0x9C90]  }
0x90: {  	s23 =	sadd.s32 $0x80, s23;
	[tilespmem:s22+$0x5190] =	vst v7;
	v7 =	vadd.f32 v9, v0;
	v6 =	vld [tilespmem:s22+$0xB580]  }
0x91: {  	[tilespmem:s22+$0x6A80] =	vst v8;
	v3 =	vadd.f32 v3, v1;
	v59 =	vld [tilespmem:s22+$0xB590]  }
0x92: {  	[tilespmem:s22+$0x6A90] =	vst v7;
	v2 =	vadd.f32 v2, v0  }
0x93: {  	[tilespmem:s22+$0x8380] =	vst v3;
	v60 =	vadd.f32 v4, v1  }
0x94: {  	s23 =	smul.u32 $0x640, s21;
	[tilespmem:s22+$0x8390] =	vst v2;
	v61 =	vadd.f32 v5, v0  }
0x95: {  	[tilespmem:s22+$0x9C80] =	vst v60;
	v62 =	vadd.f32 v6, v1  }
0x96: {  	s21 =	sadd.s32 $0x1, s21;
	s23 =	sadd.s32 s8, s23;
	[tilespmem:s22+$0x9C90] =	vst v61;
	v63 =	vadd.f32 v59, v0  }
0x97: {  	p0 =	sne.s32 s21, $0x10;
	s23 =	sshll.u32 s23, $0x2;
	[tilespmem:s22+$0xB580] =	vst v62  }
.Ltmp1:
0x98: {  	s24 =	simm.s32 $0x0;
	s23 =	sadd.s32 s6, s23;
	[tilespmem:s22+$0xB590] =	vst v63;
	(pc) =	sbr.rel @p0 .LBB2_2-.Ltmp1, $4  }
0x99: {  	[hbm4b:s23+s24] =	stream.linear.scatter [tilespmem:s13], [sflag:$0x2], $0xC800, $0x38;
	[tilespmem:$0xE780] =	vst v63  }
0x9a: {  	_ =	swait.ge [sflag:s11], $0xC800  }
0x9b: {  	[sflag:s11] =	ssyncset.done $0x0  }
0x9c: {  	[sflag:s11] =	ssyncadd.s32 $0xFFFF3800  }
0x9d: {  	s22 =	rddreg [dreg:$0x5]  }
0x9e: {  	s21 =	rddreg [dreg:$0x4];
	s22 =	sadd.s32 $0x1, s22  }
0x9f: {  	p0 =	sne.s32 s22, s21  }
.Ltmp2:
0xa0: {  	_ = 	snop;
	(pc) =	sbr.rel @p0 .LBB2_1-.Ltmp2, $1  }
0xa1: {  	_ =	sdelay $0x3  }
0xa2: {  	_ =	sfence.sel $0x180000  }
0xa3: {  	[bflag:$0x0] =	sbarrier.arrive $0xFFFF  }
0xa4: {  	_ =	strace $0x90000047  }
0xa5: {  	s0 =	stileid.u32;
	[bflag:$0x2] =	sbarrier.arrive $0xFFFF  }
0xa6: {  	p0 =	sne.s32 s0, $0x0;
	s0 =	rddreg [dreg:$0x2]  }
0xa7: {  	s0 =	sadd.s32 @!p0 $0x100000, s0  }
0xa8: {  	[sflag:s0] =	ssyncadd.tile.s32 @!p0 $0x1;
	_ =	shalt  }
.Lfunc_end2:
_tile_overlayer_lowered:
.L_overlay_start_2:
0xa9: {  	(tag) =	ssettag $0x2  }
0xaa: {  	s0 =	rddreg [dreg:$0x0];
	s2 =	stileid.u32  }
0xab: {  	s1 =	rddreg [dreg:$0x1];
	p0 =	sne.s32 s2, $0x0  }
0xac: {  	s3 =	rddreg [dreg:$0x2];
	[bflag:$0x3] =	sbarrier.arrive $0xFFFF;
	s2 =	simm.s32 @!p0 $0x1C02  }
0xad: {  	[timem:s3], [sflag:s2] =	dma.local @!p0 [hbm:s0], s1  }
0xae: {  	s0 =	simm.s32 @!p0 $0x2  }
0xaf: {  	_ =	swait.ge @!p0 [sflag:s0], s1  }
0xb0: {  	s1 =	ssub.s32 @!p0 $0x0, s1;
	[sflag:s0] =	ssyncset.done @!p0 $0x0  }
0xb1: {  	[sflag:s0] =	ssyncadd.s32 @!p0 s1  }
0xb2: {  	[bflag:$0x3] =	sbarrier.arrive $0xFFFF  }
0xb3: {  	_ =	shalt  }

</sc_bundles>
